<compile_context>
chip_gen: v7x
topology: tpu7x:2x2x1
jax: 0.10.2.dev20260603
libtpu: 0.0.44.dev20260713+nightly
codegen_flags: <defaults>
</compile_context>

<pallas_src>
import functools

import jax
import jax.numpy as jnp
from jax import lax
from jax.experimental import pallas as pl
from jax.experimental.pallas import tpu as pltpu
from jax.experimental.pallas import tpu_sc as plsc

N_ATOMS = 100000
N_TYPES = 50
CHUNK = 768
CHUNK2 = 512
SC_COLS = 32 * (CHUNK + CHUNK2)
GROUPS = CHUNK // 16
GROUPS2 = CHUNK2 // 16
NW = 32

TC_BLOCK = 20480
TC_FIRST = SC_COLS // TC_BLOCK
N_TC_BLOCKS = pl.cdiv(N_ATOMS, TC_BLOCK) - TC_FIRST

DUP_BLOCK = 50176
N_DUP_BLOCKS = pl.cdiv(N_ATOMS, DUP_BLOCK)


@functools.partial(
    pl.kernel,
    out_type=jax.ShapeDtypeStruct((N_TYPES, N_ATOMS), jnp.float32),
    mesh=plsc.VectorSubcoreMesh(core_axis_name="c", subcore_axis_name="s"),
    scratch_types=[
        pltpu.VMEM((CHUNK,), jnp.int32),
        pltpu.VMEM((N_TYPES, CHUNK), jnp.float32),
    ],
    compiler_params=pltpu.CompilerParams(
        needs_layout_passes=False, skip_device_barrier=True
    ),
)
def _onehot_sc(types_hbm, out_hbm, types_v, buf):
    wid = lax.axis_index("s") * 2 + lax.axis_index("c")
    ones16 = jnp.ones((16,), jnp.float32)
    zeros16 = jnp.zeros((16,), jnp.float32)
    iota16 = lax.iota(jnp.int32, 16)

    def zero_body(i, carry):
        for r in range(N_TYPES):
            buf[r, pl.ds(i * 16, 16)] = zeros16
        return carry

    lax.fori_loop(0, GROUPS, zero_body, 0)

    base = wid * CHUNK
    pltpu.sync_copy(types_hbm.at[pl.ds(base, CHUNK)], types_v)
    for g in range(GROUPS):
        t = types_v[pl.ds(g * 16, 16)]
        plsc.store_scatter(buf, [t, iota16 + g * 16], ones16)
    pltpu.sync_copy(buf, out_hbm.at[:, pl.ds(base, CHUNK)])
    for g in range(GROUPS):
        t = types_v[pl.ds(g * 16, 16)]
        plsc.store_scatter(buf, [t, iota16 + g * 16], zeros16)

    base2 = NW * CHUNK + wid * CHUNK2
    pltpu.sync_copy(types_hbm.at[pl.ds(base2, CHUNK2)], types_v.at[pl.ds(0, CHUNK2)])
    for g in range(GROUPS2):
        t = types_v[pl.ds(g * 16, 16)]
        plsc.store_scatter(buf, [t, iota16 + g * 16], ones16)
    pltpu.sync_copy(
        buf.at[:, pl.ds(0, CHUNK2)], out_hbm.at[:, pl.ds(base2, CHUNK2)]
    )


def _onehot_block_tc(types_ref, o_ref):
    t = types_ref[:]
    rows = lax.broadcasted_iota(jnp.int32, (N_TYPES, t.shape[0]), 0)
    o_ref[...] = (rows == t[None, :]).astype(jnp.float32)


def _region_tc(sc_ref, types_ref, o_ref):
    del sc_ref
    _onehot_block_tc(types_ref, o_ref)


_region_call = pl.pallas_call(
    _region_tc,
    grid=(N_TC_BLOCKS,),
    in_specs=[
        pl.BlockSpec(memory_space=pl.ANY),
        pl.BlockSpec((TC_BLOCK,), lambda i: (i + TC_FIRST,)),
    ],
    out_specs=pl.BlockSpec((N_TYPES, TC_BLOCK), lambda i: (0, i + TC_FIRST)),
    out_shape=jax.ShapeDtypeStruct((N_TYPES, N_ATOMS), jnp.float32),
    input_output_aliases={0: 0},
)

_dup_call = pl.pallas_call(
    _onehot_block_tc,
    grid=(N_DUP_BLOCKS,),
    in_specs=[pl.BlockSpec((DUP_BLOCK,), lambda i: (i,))],
    out_specs=pl.BlockSpec((N_TYPES, DUP_BLOCK), lambda i: (0, i)),
    out_shape=jax.ShapeDtypeStruct((N_TYPES, N_ATOMS), jnp.float32),
)


def kernel(atom_types, pos):
    del pos
    types = atom_types.reshape(-1)
    sc_out = _onehot_sc(types)
    out1 = _region_call(sc_out, types)
    out2 = _dup_call(types)
    return (out1.T, out2.T)

# --- scband reference (transcript-rebuilt; emitter-appended) ---
"""Pipeline reference for scband-one-hot-atom-encoding-37194416783654 (READ-ONLY COPY).

The authoritative reference and input builder live on the scoring server;
editing this copy changes nothing except your own understanding.
"""

import jax, jax.numpy as jnp
import numpy as np

NUM_TYPES = 50


def setup_inputs(seed: int = 0) -> dict:
    key = jax.random.key(seed)
    k1, k2 = jax.random.split(key)
    atom_types = jax.random.randint(k1, (100000, 1), 0, NUM_TYPES, dtype=jnp.int64 if jax.config.jax_enable_x64 else jnp.int32).astype(jnp.int32)
    pos = jax.random.normal(k2, (100000, 3), dtype=jnp.float32)
    return {"atom_types": atom_types, "pos": pos}


def reference(atom_types, pos):
    # type_numbers = data[ATOM_TYPE_KEY].squeeze(-1)
    type_numbers = jnp.squeeze(atom_types, axis=-1)
    # one_hot = F.one_hot(type_numbers, num_classes=num_types).to(dtype=pos.dtype)
    one_hot = jax.nn.one_hot(type_numbers, NUM_TYPES, dtype=pos.dtype)
    # data[out_field] = one_hot; copy_features=True -> data[another_field] = one_hot
    node_attrs = one_hot
    node_features = one_hot
    return (node_attrs, node_features)

if __name__ == "__main__":
    import jax
    _d = setup_inputs()
    print(jax.jit(kernel)(*tuple(_d.values())))

</pallas_src>

<mosaic_0001>
#map = affine_map<(d0, d1) -> (0)>
#map1 = affine_map<(d0, d1) -> (0, 0)>
module attributes {stable_mosaic.version = 14 : i64} {
  func.func @_onehot_sc(%arg0: i32, %arg1: i32, %arg2: memref<100000xi32, #tpu.memory_space<hbm>>, %arg3: memref<50x100000xf32, #tpu.memory_space<hbm>>, %arg4: memref<768xi32, #tpu.memory_space<vmem>>, %arg5: memref<50x768xf32, #tpu.memory_space<vmem>>) attributes {dimension_semantics = [#tpu.dimension_semantics<core_parallel>, #tpu.dimension_semantics<subcore_parallel>], iteration_bounds = array<i64: 2, 16>, scalar_prefetch = 0 : i64, scratch_operands = 2 : i64, tpu.core_type = #tpu.core_type<sc_vector_subcore>, window_params = [{transform_indices = #map}, {transform_indices = #map1}]} {
    %mul3A = arith.constant 2 : i32
    %mul3A_0 = arith.muli %arg1, %mul3A : i32
    %add3A = arith.addi %mul3A_0, %arg0 : i32
    %broadcast_in_dim3A = arith.constant 1.000000e+00 : f32
    %broadcast_in_dim3A_1 = vector.broadcast %broadcast_in_dim3A : f32 to vector<16xf32>
    %broadcast_in_dim3A_2 = arith.constant 0.000000e+00 : f32
    %broadcast_in_dim3A_3 = vector.broadcast %broadcast_in_dim3A_2 : f32 to vector<16xf32>
    %iota3A = tpu.iota {dimensions = array<i32: 0>} : vector<16xi32>
    %scan3A = arith.constant 0 : i32
    %scan3A_4 = arith.constant 0 : i32
    %scan3A_5 = arith.constant 48 : i32
    %scan3A_6 = arith.addi %scan3A_4, %scan3A_5 : i32
    %scan3A_7 = arith.constant 1 : i32
    scf.for %scan3A_654 = %scan3A_4 to %scan3A_6 step %scan3A_7  : i32 {
      %mul3A_655 = arith.constant 16 : i32
      %mul3A_656 = arith.muli %scan3A_654, %mul3A_655 : i32
      %swap3A = arith.constant 0 : i32
      %swap3A_657 = arith.index_cast %swap3A : i32 to index
      %swap3A_658 = arith.index_cast %mul3A_656 : i32 to index
      %swap3A_659 = tpu.vector_load %arg5[%swap3A_657, %swap3A_658] {strides = array<i32>} : memref<50x768xf32, #tpu.memory_space<vmem>>, vector<16xf32>,
      tpu.vector_store %arg5[%swap3A_657, %swap3A_658], %broadcast_in_dim3A_3 {strides = array<i32>} : memref<50x768xf32, #tpu.memory_space<vmem>>, vector<16xf32>,
      %mul3A_660 = arith.constant 16 : i32
      %mul3A_661 = arith.muli %scan3A_654, %mul3A_660 : i32
      %swap3A_662 = arith.constant 1 : i32
      %swap3A_663 = arith.index_cast %swap3A_662 : i32 to index
      %swap3A_664 = arith.index_cast %mul3A_661 : i32 to index
      %swap3A_665 = tpu.vector_load %arg5[%swap3A_663, %swap3A_664] {strides = array<i32>} : memref<50x768xf32, #tpu.memory_space<vmem>>, vector<16xf32>,
      tpu.vector_store %arg5[%swap3A_663, %swap3A_664], %broadcast_in_dim3A_3 {strides = array<i32>} : memref<50x768xf32, #tpu.memory_space<vmem>>, vector<16xf32>,
      %mul3A_666 = arith.constant 16 : i32
      %mul3A_667 = arith.muli %scan3A_654, %mul3A_666 : i32
      %swap3A_668 = arith.constant 2 : i32
      %swap3A_669 = arith.index_cast %swap3A_668 : i32 to index
      %swap3A_670 = arith.index_cast %mul3A_667 : i32 to index
      %swap3A_671 = tpu.vector_load %arg5[%swap3A_669, %swap3A_670] {strides = array<i32>} : memref<50x768xf32, #tpu.memory_space<vmem>>, vector<16xf32>,
      tpu.vector_store %arg5[%swap3A_669, %swap3A_670], %broadcast_in_dim3A_3 {strides = array<i32>} : memref<50x768xf32, #tpu.memory_space<vmem>>, vector<16xf32>,
      %mul3A_672 = arith.constant 16 : i32
      %mul3A_673 = arith.muli %scan3A_654, %mul3A_672 : i32
      %swap3A_674 = arith.constant 3 : i32
      %swap3A_675 = arith.index_cast %swap3A_674 : i32 to index
      %swap3A_676 = arith.index_cast %mul3A_673 : i32 to index
      %swap3A_677 = tpu.vector_load %arg5[%swap3A_675, %swap3A_676] {strides = array<i32>} : memref<50x768xf32, #tpu.memory_space<vmem>>, vector<16xf32>,
      tpu.vector_store %arg5[%swap3A_675, %swap3A_676], %broadcast_in_dim3A_3 {strides = array<i32>} : memref<50x768xf32, #tpu.memory_space<vmem>>, vector<16xf32>,
      %mul3A_678 = arith.constant 16 : i32
      %mul3A_679 = arith.muli %scan3A_654, %mul3A_678 : i32
      %swap3A_680 = arith.constant 4 : i32
      %swap3A_681 = arith.index_cast %swap3A_680 : i32 to index
      %swap3A_682 = arith.index_cast %mul3A_679 : i32 to index
      %swap3A_683 = tpu.vector_load %arg5[%swap3A_681, %swap3A_682] {strides = array<i32>} : memref<50x768xf32, #tpu.memory_space<vmem>>, vector<16xf32>,
      tpu.vector_store %arg5[%swap3A_681, %swap3A_682], %broadcast_in_dim3A_3 {strides = array<i32>} : memref<50x768xf32, #tpu.memory_space<vmem>>, vector<16xf32>,
      %mul3A_684 = arith.constant 16 : i32
      %mul3A_685 = arith.muli %scan3A_654, %mul3A_684 : i32
      %swap3A_686 = arith.constant 5 : i32
      %swap3A_687 = arith.index_cast %swap3A_686 : i32 to index
      %swap3A_688 = arith.index_cast %mul3A_685 : i32 to index
      %swap3A_689 = tpu.vector_load %arg5[%swap3A_687, %swap3A_688] {strides = array<i32>} : memref<50x768xf32, #tpu.memory_space<vmem>>, vector<16xf32>,
      tpu.vector_store %arg5[%swap3A_687, %swap3A_688], %broadcast_in_dim3A_3 {strides = array<i32>} : memref<50x768xf32, #tpu.memory_space<vmem>>, vector<16xf32>,
      %mul3A_690 = arith.constant 16 : i32
      %mul3A_691 = arith.muli %scan3A_654, %mul3A_690 : i32
      %swap3A_692 = arith.constant 6 : i32
      %swap3A_693 = arith.index_cast %swap3A_692 : i32 to index
      %swap3A_694 = arith.index_cast %mul3A_691 : i32 to index
      %swap3A_695 = tpu.vector_load %arg5[%swap3A_693, %swap3A_694] {strides = array<i32>} : memref<50x768xf32, #tpu.memory_space<vmem>>, vector<16xf32>,
      tpu.vector_store %arg5[%swap3A_693, %swap3A_694], %broadcast_in_dim3A_3 {strides = array<i32>} : memref<50x768xf32, #tpu.memory_space<vmem>>, vector<16xf32>,
      %mul3A_696 = arith.constant 16 : i32
      %mul3A_697 = arith.muli %scan3A_654, %mul3A_696 : i32
      %swap3A_698 = arith.constant 7 : i32
      %swap3A_699 = arith.index_cast %swap3A_698 : i32 to index
      %swap3A_700 = arith.index_cast %mul3A_697 : i32 to index
      %swap3A_701 = tpu.vector_load %arg5[%swap3A_699, %swap3A_700] {strides = array<i32>} : memref<50x768xf32, #tpu.memory_space<vmem>>, vector<16xf32>,
      tpu.vector_store %arg5[%swap3A_699, %swap3A_700], %broadcast_in_dim3A_3 {strides = array<i32>} : memref<50x768xf32, #tpu.memory_space<vmem>>, vector<16xf32>,
      %mul3A_702 = arith.constant 16 : i32
      %mul3A_703 = arith.muli %scan3A_654, %mul3A_702 : i32
      %swap3A_704 = arith.constant 8 : i32
      %swap3A_705 = arith.index_cast %swap3A_704 : i32 to index
      %swap3A_706 = arith.index_cast %mul3A_703 : i32 to index
      %swap3A_707 = tpu.vector_load %arg5[%swap3A_705, %swap3A_706] {strides = array<i32>} : memref<50x768xf32, #tpu.memory_space<vmem>>, vector<16xf32>,
      tpu.vector_store %arg5[%swap3A_705, %swap3A_706], %broadcast_in_dim3A_3 {strides = array<i32>} : memref<50x768xf32, #tpu.memory_space<vmem>>, vector<16xf32>,
      %mul3A_708 = arith.constant 16 : i32
      %mul3A_709 = arith.muli %scan3A_654, %mul3A_708 : i32
      %swap3A_710 = arith.constant 9 : i32
      %swap3A_711 = arith.index_cast %swap3A_710 : i32 to index
      %swap3A_712 = arith.index_cast %mul3A_709 : i32 to index
      %swap3A_713 = tpu.vector_load %arg5[%swap3A_711, %swap3A_712] {strides = array<i32>} : memref<50x768xf32, #tpu.memory_space<vmem>>, vector<16xf32>,
      tpu.vector_store %arg5[%swap3A_711, %swap3A_712], %broadcast_in_dim3A_3 {strides = array<i32>} : memref<50x768xf32, #tpu.memory_space<vmem>>, vector<16xf32>,
      %mul3A_714 = arith.constant 16 : i32
      %mul3A_715 = arith.muli %scan3A_654, %mul3A_714 : i32
      %swap3A_716 = arith.constant 10 : i32
      %swap3A_717 = arith.index_cast %swap3A_716 : i32 to index
      %swap3A_718 = arith.index_cast %mul3A_715 : i32 to index
      %swap3A_719 = tpu.vector_load %arg5[%swap3A_717, %swap3A_718] {strides = array<i32>} : memref<50x768xf32, #tpu.memory_space<vmem>>, vector<16xf32>,
      tpu.vector_store %arg5[%swap3A_717, %swap3A_718], %broadcast_in_dim3A_3 {strides = array<i32>} : memref<50x768xf32, #tpu.memory_space<vmem>>, vector<16xf32>,
      %mul3A_720 = arith.constant 16 : i32
      %mul3A_721 = arith.muli %scan3A_654, %mul3A_720 : i32
      %swap3A_722 = arith.constant 11 : i32
      %swap3A_723 = arith.index_cast %swap3A_722 : i32 to index
      %swap3A_724 = arith.index_cast %mul3A_721 : i32 to index
      %swap3A_725 = tpu.vector_load %arg5[%swap3A_723, %swap3A_724] {strides = array<i32>} : memref<50x768xf32, #tpu.memory_space<vmem>>, vector<16xf32>,
      tpu.vector_store %arg5[%swap3A_723, %swap3A_724], %broadcast_in_dim3A_3 {strides = array<i32>} : memref<50x768xf32, #tpu.memory_space<vmem>>, vector<16xf32>,
      %mul3A_726 = arith.constant 16 : i32
      %mul3A_727 = arith.muli %scan3A_654, %mul3A_726 : i32
      %swap3A_728 = arith.constant 12 : i32
      %swap3A_729 = arith.index_cast %swap3A_728 : i32 to index
      %swap3A_730 = arith.index_cast %mul3A_727 : i32 to index
      %swap3A_731 = tpu.vector_load %arg5[%swap3A_729, %swap3A_730] {strides = array<i32>} : memref<50x768xf32, #tpu.memory_space<vmem>>, vector<16xf32>,
      tpu.vector_store %arg5[%swap3A_729, %swap3A_730], %broadcast_in_dim3A_3 {strides = array<i32>} : memref<50x768xf32, #tpu.memory_space<vmem>>, vector<16xf32>,
      %mul3A_732 = arith.constant 16 : i32
      %mul3A_733 = arith.muli %scan3A_654, %mul3A_732 : i32
      %swap3A_734 = arith.constant 13 : i32
      %swap3A_735 = arith.index_cast %swap3A_734 : i32 to index
      %swap3A_736 = arith.index_cast %mul3A_733 : i32 to index
      %swap3A_737 = tpu.vector_load %arg5[%swap3A_735, %swap3A_736] {strides = array<i32>} : memref<50x768xf32, #tpu.memory_space<vmem>>, vector<16xf32>,
      tpu.vector_store %arg5[%swap3A_735, %swap3A_736], %broadcast_in_dim3A_3 {strides = array<i32>} : memref<50x768xf32, #tpu.memory_space<vmem>>, vector<16xf32>,
      %mul3A_738 = arith.constant 16 : i32
      %mul3A_739 = arith.muli %scan3A_654, %mul3A_738 : i32
      %swap3A_740 = arith.constant 14 : i32
      %swap3A_741 = arith.index_cast %swap3A_740 : i32 to index
      %swap3A_742 = arith.index_cast %mul3A_739 : i32 to index
      %swap3A_743 = tpu.vector_load %arg5[%swap3A_741, %swap3A_742] {strides = array<i32>} : memref<50x768xf32, #tpu.memory_space<vmem>>, vector<16xf32>,
      tpu.vector_store %arg5[%swap3A_741, %swap3A_742], %broadcast_in_dim3A_3 {strides = array<i32>} : memref<50x768xf32, #tpu.memory_space<vmem>>, vector<16xf32>,
      %mul3A_744 = arith.constant 16 : i32
      %mul3A_745 = arith.muli %scan3A_654, %mul3A_744 : i32
      %swap3A_746 = arith.constant 15 : i32
      %swap3A_747 = arith.index_cast %swap3A_746 : i32 to index
      %swap3A_748 = arith.index_cast %mul3A_745 : i32 to index
      %swap3A_749 = tpu.vector_load %arg5[%swap3A_747, %swap3A_748] {strides = array<i32>} : memref<50x768xf32, #tpu.memory_space<vmem>>, vector<16xf32>,
      tpu.vector_store %arg5[%swap3A_747, %swap3A_748], %broadcast_in_dim3A_3 {strides = array<i32>} : memref<50x768xf32, #tpu.memory_space<vmem>>, vector<16xf32>,
      %mul3A_750 = arith.constant 16 : i32
      %mul3A_751 = arith.muli %scan3A_654, %mul3A_750 : i32
      %swap3A_752 = arith.constant 16 : i32
      %swap3A_753 = arith.index_cast %swap3A_752 : i32 to index
      %swap3A_754 = arith.index_cast %mul3A_751 : i32 to index
      %swap3A_755 = tpu.vector_load %arg5[%swap3A_753, %swap3A_754] {strides = array<i32>} : memref<50x768xf32, #tpu.memory_space<vmem>>, vector<16xf32>,
      tpu.vector_store %arg5[%swap3A_753, %swap3A_754], %broadcast_in_dim3A_3 {strides = array<i32>} : memref<50x768xf32, #tpu.memory_space<vmem>>, vector<16xf32>,
      %mul3A_756 = arith.constant 16 : i32
      %mul3A_757 = arith.muli %scan3A_654, %mul3A_756 : i32
      %swap3A_758 = arith.constant 17 : i32
      %swap3A_759 = arith.index_cast %swap3A_758 : i32 to index
      %swap3A_760 = arith.index_cast %mul3A_757 : i32 to index
      %swap3A_761 = tpu.vector_load %arg5[%swap3A_759, %swap3A_760] {strides = array<i32>} : memref<50x768xf32, #tpu.memory_space<vmem>>, vector<16xf32>,
      tpu.vector_store %arg5[%swap3A_759, %swap3A_760], %broadcast_in_dim3A_3 {strides = array<i32>} : memref<50x768xf32, #tpu.memory_space<vmem>>, vector<16xf32>,
      %mul3A_762 = arith.constant 16 : i32
      %mul3A_763 = arith.muli %scan3A_654, %mul3A_762 : i32
      %swap3A_764 = arith.constant 18 : i32
      %swap3A_765 = arith.index_cast %swap3A_764 : i32 to index
      %swap3A_766 = arith.index_cast %mul3A_763 : i32 to index
      %swap3A_767 = tpu.vector_load %arg5[%swap3A_765, %swap3A_766] {strides = array<i32>} : memref<50x768xf32, #tpu.memory_space<vmem>>, vector<16xf32>,
      tpu.vector_store %arg5[%swap3A_765, %swap3A_766], %broadcast_in_dim3A_3 {strides = array<i32>} : memref<50x768xf32, #tpu.memory_space<vmem>>, vector<16xf32>,
      %mul3A_768 = arith.constant 16 : i32
      %mul3A_769 = arith.muli %scan3A_654, %mul3A_768 : i32
      %swap3A_770 = arith.constant 19 : i32
      %swap3A_771 = arith.index_cast %swap3A_770 : i32 to index
      %swap3A_772 = arith.index_cast %mul3A_769 : i32 to index
      %swap3A_773 = tpu.vector_load %arg5[%swap3A_771, %swap3A_772] {strides = array<i32>} : memref<50x768xf32, #tpu.memory_space<vmem>>, vector<16xf32>,
      tpu.vector_store %arg5[%swap3A_771, %swap3A_772], %broadcast_in_dim3A_3 {strides = array<i32>} : memref<50x768xf32, #tpu.memory_space<vmem>>, vector<16xf32>,
      %mul3A_774 = arith.constant 16 : i32
      %mul3A_775 = arith.muli %scan3A_654, %mul3A_774 : i32
      %swap3A_776 = arith.constant 20 : i32
      %swap3A_777 = arith.index_cast %swap3A_776 : i32 to index
      %swap3A_778 = arith.index_cast %mul3A_775 : i32 to index
      %swap3A_779 = tpu.vector_load %arg5[%swap3A_777, %swap3A_778] {strides = array<i32>} : memref<50x768xf32, #tpu.memory_space<vmem>>, vector<16xf32>,
      tpu.vector_store %arg5[%swap3A_777, %swap3A_778], %broadcast_in_dim3A_3 {strides = array<i32>} : memref<50x768xf32, #tpu.memory_space<vmem>>, vector<16xf32>,
      %mul3A_780 = arith.constant 16 : i32
      %mul3A_781 = arith.muli %scan3A_654, %mul3A_780 : i32
      %swap3A_782 = arith.constant 21 : i32
      %swap3A_783 = arith.index_cast %swap3A_782 : i32 to index
      %swap3A_784 = arith.index_cast %mul3A_781 : i32 to index
      %swap3A_785 = tpu.vector_load %arg5[%swap3A_783, %swap3A_784] {strides = array<i32>} : memref<50x768xf32, #tpu.memory_space<vmem>>, vector<16xf32>,
      tpu.vector_store %arg5[%swap3A_783, %swap3A_784], %broadcast_in_dim3A_3 {strides = array<i32>} : memref<50x768xf32, #tpu.memory_space<vmem>>, vector<16xf32>,
      %mul3A_786 = arith.constant 16 : i32
      %mul3A_787 = arith.muli %scan3A_654, %mul3A_786 : i32
      %swap3A_788 = arith.constant 22 : i32
      %swap3A_789 = arith.index_cast %swap3A_788 : i32 to index
      %swap3A_790 = arith.index_cast %mul3A_787 : i32 to index
      %swap3A_791 = tpu.vector_load %arg5[%swap3A_789, %swap3A_790] {strides = array<i32>} : memref<50x768xf32, #tpu.memory_space<vmem>>, vector<16xf32>,
      tpu.vector_store %arg5[%swap3A_789, %swap3A_790], %broadcast_in_dim3A_3 {strides = array<i32>} : memref<50x768xf32, #tpu.memory_space<vmem>>, vector<16xf32>,
      %mul3A_792 = arith.constant 16 : i32
      %mul3A_793 = arith.muli %scan3A_654, %mul3A_792 : i32
      %swap3A_794 = arith.constant 23 : i32
      %swap3A_795 = arith.index_cast %swap3A_794 : i32 to index
      %swap3A_796 = arith.index_cast %mul3A_793 : i32 to index
      %swap3A_797 = tpu.vector_load %arg5[%swap3A_795, %swap3A_796] {strides = array<i32>} : memref<50x768xf32, #tpu.memory_space<vmem>>, vector<16xf32>,
      tpu.vector_store %arg5[%swap3A_795, %swap3A_796], %broadcast_in_dim3A_3 {strides = array<i32>} : memref<50x768xf32, #tpu.memory_space<vmem>>, vector<16xf32>,
      %mul3A_798 = arith.constant 16 : i32
      %mul3A_799 = arith.muli %scan3A_654, %mul3A_798 : i32
      %swap3A_800 = arith.constant 24 : i32
      %swap3A_801 = arith.index_cast %swap3A_800 : i32 to index
      %swap3A_802 = arith.index_cast %mul3A_799 : i32 to index
      %swap3A_803 = tpu.vector_load %arg5[%swap3A_801, %swap3A_802] {strides = array<i32>} : memref<50x768xf32, #tpu.memory_space<vmem>>, vector<16xf32>,
      tpu.vector_store %arg5[%swap3A_801, %swap3A_802], %broadcast_in_dim3A_3 {strides = array<i32>} : memref<50x768xf32, #tpu.memory_space<vmem>>, vector<16xf32>,
      %mul3A_804 = arith.constant 16 : i32
      %mul3A_805 = arith.muli %scan3A_654, %mul3A_804 : i32
      %swap3A_806 = arith.constant 25 : i32
      %swap3A_807 = arith.index_cast %swap3A_806 : i32 to index
      %swap3A_808 = arith.index_cast %mul3A_805 : i32 to index
      %swap3A_809 = tpu.vector_load %arg5[%swap3A_807, %swap3A_808] {strides = array<i32>} : memref<50x768xf32, #tpu.memory_space<vmem>>, vector<16xf32>,
      tpu.vector_store %arg5[%swap3A_807, %swap3A_808], %broadcast_in_dim3A_3 {strides = array<i32>} : memref<50x768xf32, #tpu.memory_space<vmem>>, vector<16xf32>,
      %mul3A_810 = arith.constant 16 : i32
      %mul3A_811 = arith.muli %scan3A_654, %mul3A_810 : i32
      %swap3A_812 = arith.constant 26 : i32
      %swap3A_813 = arith.index_cast %swap3A_812 : i32 to index
      %swap3A_814 = arith.index_cast %mul3A_811 : i32 to index
      %swap3A_815 = tpu.vector_load %arg5[%swap3A_813, %swap3A_814] {strides = array<i32>} : memref<50x768xf32, #tpu.memory_space<vmem>>, vector<16xf32>,
      tpu.vector_store %arg5[%swap3A_813, %swap3A_814], %broadcast_in_dim3A_3 {strides = array<i32>} : memref<50x768xf32, #tpu.memory_space<vmem>>, vector<16xf32>,
      %mul3A_816 = arith.constant 16 : i32
      %mul3A_817 = arith.muli %scan3A_654, %mul3A_816 : i32
      %swap3A_818 = arith.constant 27 : i32
      %swap3A_819 = arith.index_cast %swap3A_818 : i32 to index
      %swap3A_820 = arith.index_cast %mul3A_817 : i32 to index
      %swap3A_821 = tpu.vector_load %arg5[%swap3A_819, %swap3A_820] {strides = array<i32>} : memref<50x768xf32, #tpu.memory_space<vmem>>, vector<16xf32>,
      tpu.vector_store %arg5[%swap3A_819, %swap3A_820], %broadcast_in_dim3A_3 {strides = array<i32>} : memref<50x768xf32, #tpu.memory_space<vmem>>, vector<16xf32>,
      %mul3A_822 = arith.constant 16 : i32
      %mul3A_823 = arith.muli %scan3A_654, %mul3A_822 : i32
      %swap3A_824 = arith.constant 28 : i32
      %swap3A_825 = arith.index_cast %swap3A_824 : i32 to index
      %swap3A_826 = arith.index_cast %mul3A_823 : i32 to index
      %swap3A_827 = tpu.vector_load %arg5[%swap3A_825, %swap3A_826] {strides = array<i32>} : memref<50x768xf32, #tpu.memory_space<vmem>>, vector<16xf32>,
      tpu.vector_store %arg5[%swap3A_825, %swap3A_826], %broadcast_in_dim3A_3 {strides = array<i32>} : memref<50x768xf32, #tpu.memory_space<vmem>>, vector<16xf32>,
      %mul3A_828 = arith.constant 16 : i32
      %mul3A_829 = arith.muli %scan3A_654, %mul3A_828 : i32
      %swap3A_830 = arith.constant 29 : i32
      %swap3A_831 = arith.index_cast %swap3A_830 : i32 to index
      %swap3A_832 = arith.index_cast %mul3A_829 : i32 to index
      %swap3A_833 = tpu.vector_load %arg5[%swap3A_831, %swap3A_832] {strides = array<i32>} : memref<50x768xf32, #tpu.memory_space<vmem>>, vector<16xf32>,
      tpu.vector_store %arg5[%swap3A_831, %swap3A_832], %broadcast_in_dim3A_3 {strides = array<i32>} : memref<50x768xf32, #tpu.memory_space<vmem>>, vector<16xf32>,
      %mul3A_834 = arith.constant 16 : i32
      %mul3A_835 = arith.muli %scan3A_654, %mul3A_834 : i32
      %swap3A_836 = arith.constant 30 : i32
      %swap3A_837 = arith.index_cast %swap3A_836 : i32 to index
      %swap3A_838 = arith.index_cast %mul3A_835 : i32 to index
      %swap3A_839 = tpu.vector_load %arg5[%swap3A_837, %swap3A_838] {strides = array<i32>} : memref<50x768xf32, #tpu.memory_space<vmem>>, vector<16xf32>,
      tpu.vector_store %arg5[%swap3A_837, %swap3A_838], %broadcast_in_dim3A_3 {strides = array<i32>} : memref<50x768xf32, #tpu.memory_space<vmem>>, vector<16xf32>,
      %mul3A_840 = arith.constant 16 : i32
      %mul3A_841 = arith.muli %scan3A_654, %mul3A_840 : i32
      %swap3A_842 = arith.constant 31 : i32
      %swap3A_843 = arith.index_cast %swap3A_842 : i32 to index
      %swap3A_844 = arith.index_cast %mul3A_841 : i32 to index
      %swap3A_845 = tpu.vector_load %arg5[%swap3A_843, %swap3A_844] {strides = array<i32>} : memref<50x768xf32, #tpu.memory_space<vmem>>, vector<16xf32>,
      tpu.vector_store %arg5[%swap3A_843, %swap3A_844], %broadcast_in_dim3A_3 {strides = array<i32>} : memref<50x768xf32, #tpu.memory_space<vmem>>, vector<16xf32>,
      %mul3A_846 = arith.constant 16 : i32
      %mul3A_847 = arith.muli %scan3A_654, %mul3A_846 : i32
      %swap3A_848 = arith.constant 32 : i32
      %swap3A_849 = arith.index_cast %swap3A_848 : i32 to index
      %swap3A_850 = arith.index_cast %mul3A_847 : i32 to index
      %swap3A_851 = tpu.vector_load %arg5[%swap3A_849, %swap3A_850] {strides = array<i32>} : memref<50x768xf32, #tpu.memory_space<vmem>>, vector<16xf32>,
      tpu.vector_store %arg5[%swap3A_849, %swap3A_850], %broadcast_in_dim3A_3 {strides = array<i32>} : memref<50x768xf32, #tpu.memory_space<vmem>>, vector<16xf32>,
      %mul3A_852 = arith.constant 16 : i32
      %mul3A_853 = arith.muli %scan3A_654, %mul3A_852 : i32
      %swap3A_854 = arith.constant 33 : i32
      %swap3A_855 = arith.index_cast %swap3A_854 : i32 to index
      %swap3A_856 = arith.index_cast %mul3A_853 : i32 to index
      %swap3A_857 = tpu.vector_load %arg5[%swap3A_855, %swap3A_856] {strides = array<i32>} : memref<50x768xf32, #tpu.memory_space<vmem>>, vector<16xf32>,
      tpu.vector_store %arg5[%swap3A_855, %swap3A_856], %broadcast_in_dim3A_3 {strides = array<i32>} : memref<50x768xf32, #tpu.memory_space<vmem>>, vector<16xf32>,
      %mul3A_858 = arith.constant 16 : i32
      %mul3A_859 = arith.muli %scan3A_654, %mul3A_858 : i32
      %swap3A_860 = arith.constant 34 : i32
      %swap3A_861 = arith.index_cast %swap3A_860 : i32 to index
      %swap3A_862 = arith.index_cast %mul3A_859 : i32 to index
      %swap3A_863 = tpu.vector_load %arg5[%swap3A_861, %swap3A_862] {strides = array<i32>} : memref<50x768xf32, #tpu.memory_space<vmem>>, vector<16xf32>,
      tpu.vector_store %arg5[%swap3A_861, %swap3A_862], %broadcast_in_dim3A_3 {strides = array<i32>} : memref<50x768xf32, #tpu.memory_space<vmem>>, vector<16xf32>,
      %mul3A_864 = arith.constant 16 : i32
      %mul3A_865 = arith.muli %scan3A_654, %mul3A_864 : i32
      %swap3A_866 = arith.constant 35 : i32
      %swap3A_867 = arith.index_cast %swap3A_866 : i32 to index
      %swap3A_868 = arith.index_cast %mul3A_865 : i32 to index
      %swap3A_869 = tpu.vector_load %arg5[%swap3A_867, %swap3A_868] {strides = array<i32>} : memref<50x768xf32, #tpu.memory_space<vmem>>, vector<16xf32>,
      tpu.vector_store %arg5[%swap3A_867, %swap3A_868], %broadcast_in_dim3A_3 {strides = array<i32>} : memref<50x768xf32, #tpu.memory_space<vmem>>, vector<16xf32>,
      %mul3A_870 = arith.constant 16 : i32
      %mul3A_871 = arith.muli %scan3A_654, %mul3A_870 : i32
      %swap3A_872 = arith.constant 36 : i32
      %swap3A_873 = arith.index_cast %swap3A_872 : i32 to index
      %swap3A_874 = arith.index_cast %mul3A_871 : i32 to index
      %swap3A_875 = tpu.vector_load %arg5[%swap3A_873, %swap3A_874] {strides = array<i32>} : memref<50x768xf32, #tpu.memory_space<vmem>>, vector<16xf32>,
      tpu.vector_store %arg5[%swap3A_873, %swap3A_874], %broadcast_in_dim3A_3 {strides = array<i32>} : memref<50x768xf32, #tpu.memory_space<vmem>>, vector<16xf32>,
      %mul3A_876 = arith.constant 16 : i32
      %mul3A_877 = arith.muli %scan3A_654, %mul3A_876 : i32
      %swap3A_878 = arith.constant 37 : i32
      %swap3A_879 = arith.index_cast %swap3A_878 : i32 to index
      %swap3A_880 = arith.index_cast %mul3A_877 : i32 to index
      %swap3A_881 = tpu.vector_load %arg5[%swap3A_879, %swap3A_880] {strides = array<i32>} : memref<50x768xf32, #tpu.memory_space<vmem>>, vector<16xf32>,
      tpu.vector_store %arg5[%swap3A_879, %swap3A_880], %broadcast_in_dim3A_3 {strides = array<i32>} : memref<50x768xf32, #tpu.memory_space<vmem>>, vector<16xf32>,
      %mul3A_882 = arith.constant 16 : i32
      %mul3A_883 = arith.muli %scan3A_654, %mul3A_882 : i32
      %swap3A_884 = arith.constant 38 : i32
      %swap3A_885 = arith.index_cast %swap3A_884 : i32 to index
      %swap3A_886 = arith.index_cast %mul3A_883 : i32 to index
      %swap3A_887 = tpu.vector_load %arg5[%swap3A_885, %swap3A_886] {strides = array<i32>} : memref<50x768xf32, #tpu.memory_space<vmem>>, vector<16xf32>,
      tpu.vector_store %arg5[%swap3A_885, %swap3A_886], %broadcast_in_dim3A_3 {strides = array<i32>} : memref<50x768xf32, #tpu.memory_space<vmem>>, vector<16xf32>,
      %mul3A_888 = arith.constant 16 : i32
      %mul3A_889 = arith.muli %scan3A_654, %mul3A_888 : i32
      %swap3A_890 = arith.constant 39 : i32
      %swap3A_891 = arith.index_cast %swap3A_890 : i32 to index
      %swap3A_892 = arith.index_cast %mul3A_889 : i32 to index
      %swap3A_893 = tpu.vector_load %arg5[%swap3A_891, %swap3A_892] {strides = array<i32>} : memref<50x768xf32, #tpu.memory_space<vmem>>, vector<16xf32>,
      tpu.vector_store %arg5[%swap3A_891, %swap3A_892], %broadcast_in_dim3A_3 {strides = array<i32>} : memref<50x768xf32, #tpu.memory_space<vmem>>, vector<16xf32>,
      %mul3A_894 = arith.constant 16 : i32
      %mul3A_895 = arith.muli %scan3A_654, %mul3A_894 : i32
      %swap3A_896 = arith.constant 40 : i32
      %swap3A_897 = arith.index_cast %swap3A_896 : i32 to index
      %swap3A_898 = arith.index_cast %mul3A_895 : i32 to index
      %swap3A_899 = tpu.vector_load %arg5[%swap3A_897, %swap3A_898] {strides = array<i32>} : memref<50x768xf32, #tpu.memory_space<vmem>>, vector<16xf32>,
      tpu.vector_store %arg5[%swap3A_897, %swap3A_898], %broadcast_in_dim3A_3 {strides = array<i32>} : memref<50x768xf32, #tpu.memory_space<vmem>>, vector<16xf32>,
      %mul3A_900 = arith.constant 16 : i32
      %mul3A_901 = arith.muli %scan3A_654, %mul3A_900 : i32
      %swap3A_902 = arith.constant 41 : i32
      %swap3A_903 = arith.index_cast %swap3A_902 : i32 to index
      %swap3A_904 = arith.index_cast %mul3A_901 : i32 to index
      %swap3A_905 = tpu.vector_load %arg5[%swap3A_903, %swap3A_904] {strides = array<i32>} : memref<50x768xf32, #tpu.memory_space<vmem>>, vector<16xf32>,
      tpu.vector_store %arg5[%swap3A_903, %swap3A_904], %broadcast_in_dim3A_3 {strides = array<i32>} : memref<50x768xf32, #tpu.memory_space<vmem>>, vector<16xf32>,
      %mul3A_906 = arith.constant 16 : i32
      %mul3A_907 = arith.muli %scan3A_654, %mul3A_906 : i32
      %swap3A_908 = arith.constant 42 : i32
      %swap3A_909 = arith.index_cast %swap3A_908 : i32 to index
      %swap3A_910 = arith.index_cast %mul3A_907 : i32 to index
      %swap3A_911 = tpu.vector_load %arg5[%swap3A_909, %swap3A_910] {strides = array<i32>} : memref<50x768xf32, #tpu.memory_space<vmem>>, vector<16xf32>,
      tpu.vector_store %arg5[%swap3A_909, %swap3A_910], %broadcast_in_dim3A_3 {strides = array<i32>} : memref<50x768xf32, #tpu.memory_space<vmem>>, vector<16xf32>,
      %mul3A_912 = arith.constant 16 : i32
      %mul3A_913 = arith.muli %scan3A_654, %mul3A_912 : i32
      %swap3A_914 = arith.constant 43 : i32
      %swap3A_915 = arith.index_cast %swap3A_914 : i32 to index
      %swap3A_916 = arith.index_cast %mul3A_913 : i32 to index
      %swap3A_917 = tpu.vector_load %arg5[%swap3A_915, %swap3A_916] {strides = array<i32>} : memref<50x768xf32, #tpu.memory_space<vmem>>, vector<16xf32>,
      tpu.vector_store %arg5[%swap3A_915, %swap3A_916], %broadcast_in_dim3A_3 {strides = array<i32>} : memref<50x768xf32, #tpu.memory_space<vmem>>, vector<16xf32>,
      %mul3A_918 = arith.constant 16 : i32
      %mul3A_919 = arith.muli %scan3A_654, %mul3A_918 : i32
      %swap3A_920 = arith.constant 44 : i32
      %swap3A_921 = arith.index_cast %swap3A_920 : i32 to index
      %swap3A_922 = arith.index_cast %mul3A_919 : i32 to index
      %swap3A_923 = tpu.vector_load %arg5[%swap3A_921, %swap3A_922] {strides = array<i32>} : memref<50x768xf32, #tpu.memory_space<vmem>>, vector<16xf32>,
      tpu.vector_store %arg5[%swap3A_921, %swap3A_922], %broadcast_in_dim3A_3 {strides = array<i32>} : memref<50x768xf32, #tpu.memory_space<vmem>>, vector<16xf32>,
      %mul3A_924 = arith.constant 16 : i32
      %mul3A_925 = arith.muli %scan3A_654, %mul3A_924 : i32
      %swap3A_926 = arith.constant 45 : i32
      %swap3A_927 = arith.index_cast %swap3A_926 : i32 to index
      %swap3A_928 = arith.index_cast %mul3A_925 : i32 to index
      %swap3A_929 = tpu.vector_load %arg5[%swap3A_927, %swap3A_928] {strides = array<i32>} : memref<50x768xf32, #tpu.memory_space<vmem>>, vector<16xf32>,
      tpu.vector_store %arg5[%swap3A_927, %swap3A_928], %broadcast_in_dim3A_3 {strides = array<i32>} : memref<50x768xf32, #tpu.memory_space<vmem>>, vector<16xf32>,
      %mul3A_930 = arith.constant 16 : i32
      %mul3A_931 = arith.muli %scan3A_654, %mul3A_930 : i32
      %swap3A_932 = arith.constant 46 : i32
      %swap3A_933 = arith.index_cast %swap3A_932 : i32 to index
      %swap3A_934 = arith.index_cast %mul3A_931 : i32 to index
      %swap3A_935 = tpu.vector_load %arg5[%swap3A_933, %swap3A_934] {strides = array<i32>} : memref<50x768xf32, #tpu.memory_space<vmem>>, vector<16xf32>,
      tpu.vector_store %arg5[%swap3A_933, %swap3A_934], %broadcast_in_dim3A_3 {strides = array<i32>} : memref<50x768xf32, #tpu.memory_space<vmem>>, vector<16xf32>,
      %mul3A_936 = arith.constant 16 : i32
      %mul3A_937 = arith.muli %scan3A_654, %mul3A_936 : i32
      %swap3A_938 = arith.constant 47 : i32
      %swap3A_939 = arith.index_cast %swap3A_938 : i32 to index
      %swap3A_940 = arith.index_cast %mul3A_937 : i32 to index
      %swap3A_941 = tpu.vector_load %arg5[%swap3A_939, %swap3A_940] {strides = array<i32>} : memref<50x768xf32, #tpu.memory_space<vmem>>, vector<16xf32>,
      tpu.vector_store %arg5[%swap3A_939, %swap3A_940], %broadcast_in_dim3A_3 {strides = array<i32>} : memref<50x768xf32, #tpu.memory_space<vmem>>, vector<16xf32>,
      %mul3A_942 = arith.constant 16 : i32
      %mul3A_943 = arith.muli %scan3A_654, %mul3A_942 : i32
      %swap3A_944 = arith.constant 48 : i32
      %swap3A_945 = arith.index_cast %swap3A_944 : i32 to index
      %swap3A_946 = arith.index_cast %mul3A_943 : i32 to index
      %swap3A_947 = tpu.vector_load %arg5[%swap3A_945, %swap3A_946] {strides = array<i32>} : memref<50x768xf32, #tpu.memory_space<vmem>>, vector<16xf32>,
      tpu.vector_store %arg5[%swap3A_945, %swap3A_946], %broadcast_in_dim3A_3 {strides = array<i32>} : memref<50x768xf32, #tpu.memory_space<vmem>>, vector<16xf32>,
      %mul3A_948 = arith.constant 16 : i32
      %mul3A_949 = arith.muli %scan3A_654, %mul3A_948 : i32
      %swap3A_950 = arith.constant 49 : i32
      %swap3A_951 = arith.index_cast %swap3A_950 : i32 to index
      %swap3A_952 = arith.index_cast %mul3A_949 : i32 to index
      %swap3A_953 = tpu.vector_load %arg5[%swap3A_951, %swap3A_952] {strides = array<i32>} : memref<50x768xf32, #tpu.memory_space<vmem>>, vector<16xf32>,
      tpu.vector_store %arg5[%swap3A_951, %swap3A_952], %broadcast_in_dim3A_3 {strides = array<i32>} : memref<50x768xf32, #tpu.memory_space<vmem>>, vector<16xf32>,
    }
    %scan3A_8 = arith.constant 48 : i32
    %mul3A_9 = arith.constant 768 : i32
    %mul3A_10 = arith.muli %add3A, %mul3A_9 : i32
    "tpu.region"() ({
      %run_scoped3A = tpu.sem_alloc : memref<!tpu.dma_semaphore, #tpu.memory_space<semaphore_mem>>
      %dma_start3A = tpu.memref_slice %arg2[%mul3A_10] : memref<100000xi32, #tpu.memory_space<hbm>> -> memref<768xi32, #tpu.memory_space<hbm>>
      %dma_start3A_654 = tpu.memref_slice %arg2[%mul3A_10] : memref<100000xi32, #tpu.memory_space<hbm>> -> memref<768xi32, #tpu.memory_space<hbm>>
      tpu.enqueue_dma source(%dma_start3A_654 : memref<768xi32, #tpu.memory_space<hbm>>) target(%arg4 : memref<768xi32, #tpu.memory_space<vmem>>) target_semaphore(%run_scoped3A : memref<!tpu.dma_semaphore, #tpu.memory_space<semaphore_mem>>)
      %dma_wait3A = tpu.memref_slice %arg2[%mul3A_10] : memref<100000xi32, #tpu.memory_space<hbm>> -> memref<768xi32, #tpu.memory_space<hbm>>
      %dma_wait3A_655 = tpu.memref_slice %arg2[%mul3A_10] : memref<100000xi32, #tpu.memory_space<hbm>> -> memref<768xi32, #tpu.memory_space<hbm>>
      tpu.wait_dma2 semaphore(%run_scoped3A : memref<!tpu.dma_semaphore, #tpu.memory_space<semaphore_mem>>) src(%dma_wait3A_655 : memref<768xi32, #tpu.memory_space<hbm>>) dst(%arg4 : memref<768xi32, #tpu.memory_space<vmem>>)
      tpu.yield
    }) : () -> ()
    %get3A = arith.constant 0 : index
    %get3A_11 = tpu.vector_load %arg4[%get3A] {strides = array<i32>} : memref<768xi32, #tpu.memory_space<vmem>>, vector<16xi32>,
    %add3A_12 = arith.constant 0 : i32
    %add3A_13 = vector.broadcast %add3A_12 : i32 to vector<16xi32>
    %add3A_14 = arith.addi %iota3A, %add3A_13 : vector<16xi32>
    tpu.vector_store_idx %arg5[%get3A_11, %add3A_14], %broadcast_in_dim3A_1 : memref<50x768xf32, #tpu.memory_space<vmem>>[vector<16xi32>, vector<16xi32>], vector<16xf32>,
    %get3A_15 = arith.constant 16 : index
    %get3A_16 = tpu.vector_load %arg4[%get3A_15] {strides = array<i32>} : memref<768xi32, #tpu.memory_space<vmem>>, vector<16xi32>,
    %add3A_17 = arith.constant 16 : i32
    %add3A_18 = vector.broadcast %add3A_17 : i32 to vector<16xi32>
    %add3A_19 = arith.addi %iota3A, %add3A_18 : vector<16xi32>
    tpu.vector_store_idx %arg5[%get3A_16, %add3A_19], %broadcast_in_dim3A_1 : memref<50x768xf32, #tpu.memory_space<vmem>>[vector<16xi32>, vector<16xi32>], vector<16xf32>,
    %get3A_20 = arith.constant 32 : index
    %get3A_21 = tpu.vector_load %arg4[%get3A_20] {strides = array<i32>} : memref<768xi32, #tpu.memory_space<vmem>>, vector<16xi32>,
    %add3A_22 = arith.constant 32 : i32
    %add3A_23 = vector.broadcast %add3A_22 : i32 to vector<16xi32>
    %add3A_24 = arith.addi %iota3A, %add3A_23 : vector<16xi32>
    tpu.vector_store_idx %arg5[%get3A_21, %add3A_24], %broadcast_in_dim3A_1 : memref<50x768xf32, #tpu.memory_space<vmem>>[vector<16xi32>, vector<16xi32>], vector<16xf32>,
    %get3A_25 = arith.constant 48 : index
    %get3A_26 = tpu.vector_load %arg4[%get3A_25] {strides = array<i32>} : memref<768xi32, #tpu.memory_space<vmem>>, vector<16xi32>,
    %add3A_27 = arith.constant 48 : i32
    %add3A_28 = vector.broadcast %add3A_27 : i32 to vector<16xi32>
    %add3A_29 = arith.addi %iota3A, %add3A_28 : vector<16xi32>
    tpu.vector_store_idx %arg5[%get3A_26, %add3A_29], %broadcast_in_dim3A_1 : memref<50x768xf32, #tpu.memory_space<vmem>>[vector<16xi32>, vector<16xi32>], vector<16xf32>,
    %get3A_30 = arith.constant 64 : index
    %get3A_31 = tpu.vector_load %arg4[%get3A_30] {strides = array<i32>} : memref<768xi32, #tpu.memory_space<vmem>>, vector<16xi32>,
    %add3A_32 = arith.constant 64 : i32
    %add3A_33 = vector.broadcast %add3A_32 : i32 to vector<16xi32>
    %add3A_34 = arith.addi %iota3A, %add3A_33 : vector<16xi32>
    tpu.vector_store_idx %arg5[%get3A_31, %add3A_34], %broadcast_in_dim3A_1 : memref<50x768xf32, #tpu.memory_space<vmem>>[vector<16xi32>, vector<16xi32>], vector<16xf32>,
    %get3A_35 = arith.constant 80 : index
    %get3A_36 = tpu.vector_load %arg4[%get3A_35] {strides = array<i32>} : memref<768xi32, #tpu.memory_space<vmem>>, vector<16xi32>,
    %add3A_37 = arith.constant 80 : i32
    %add3A_38 = vector.broadcast %add3A_37 : i32 to vector<16xi32>
    %add3A_39 = arith.addi %iota3A, %add3A_38 : vector<16xi32>
    tpu.vector_store_idx %arg5[%get3A_36, %add3A_39], %broadcast_in_dim3A_1 : memref<50x768xf32, #tpu.memory_space<vmem>>[vector<16xi32>, vector<16xi32>], vector<16xf32>,
    %get3A_40 = arith.constant 96 : index
    %get3A_41 = tpu.vector_load %arg4[%get3A_40] {strides = array<i32>} : memref<768xi32, #tpu.memory_space<vmem>>, vector<16xi32>,
    %add3A_42 = arith.constant 96 : i32
    %add3A_43 = vector.broadcast %add3A_42 : i32 to vector<16xi32>
    %add3A_44 = arith.addi %iota3A, %add3A_43 : vector<16xi32>
    tpu.vector_store_idx %arg5[%get3A_41, %add3A_44], %broadcast_in_dim3A_1 : memref<50x768xf32, #tpu.memory_space<vmem>>[vector<16xi32>, vector<16xi32>], vector<16xf32>,
    %get3A_45 = arith.constant 112 : index
    %get3A_46 = tpu.vector_load %arg4[%get3A_45] {strides = array<i32>} : memref<768xi32, #tpu.memory_space<vmem>>, vector<16xi32>,
    %add3A_47 = arith.constant 112 : i32
    %add3A_48 = vector.broadcast %add3A_47 : i32 to vector<16xi32>
    %add3A_49 = arith.addi %iota3A, %add3A_48 : vector<16xi32>
    tpu.vector_store_idx %arg5[%get3A_46, %add3A_49], %broadcast_in_dim3A_1 : memref<50x768xf32, #tpu.memory_space<vmem>>[vector<16xi32>, vector<16xi32>], vector<16xf32>,
    %get3A_50 = arith.constant 128 : index
    %get3A_51 = tpu.vector_load %arg4[%get3A_50] {strides = array<i32>} : memref<768xi32, #tpu.memory_space<vmem>>, vector<16xi32>,
    %add3A_52 = arith.constant 128 : i32
    %add3A_53 = vector.broadcast %add3A_52 : i32 to vector<16xi32>
    %add3A_54 = arith.addi %iota3A, %add3A_53 : vector<16xi32>
    tpu.vector_store_idx %arg5[%get3A_51, %add3A_54], %broadcast_in_dim3A_1 : memref<50x768xf32, #tpu.memory_space<vmem>>[vector<16xi32>, vector<16xi32>], vector<16xf32>,
    %get3A_55 = arith.constant 144 : index
    %get3A_56 = tpu.vector_load %arg4[%get3A_55] {strides = array<i32>} : memref<768xi32, #tpu.memory_space<vmem>>, vector<16xi32>,
    %add3A_57 = arith.constant 144 : i32
    %add3A_58 = vector.broadcast %add3A_57 : i32 to vector<16xi32>
    %add3A_59 = arith.addi %iota3A, %add3A_58 : vector<16xi32>
    tpu.vector_store_idx %arg5[%get3A_56, %add3A_59], %broadcast_in_dim3A_1 : memref<50x768xf32, #tpu.memory_space<vmem>>[vector<16xi32>, vector<16xi32>], vector<16xf32>,
    %get3A_60 = arith.constant 160 : index
    %get3A_61 = tpu.vector_load %arg4[%get3A_60] {strides = array<i32>} : memref<768xi32, #tpu.memory_space<vmem>>, vector<16xi32>,
    %add3A_62 = arith.constant 160 : i32
    %add3A_63 = vector.broadcast %add3A_62 : i32 to vector<16xi32>
    %add3A_64 = arith.addi %iota3A, %add3A_63 : vector<16xi32>
    tpu.vector_store_idx %arg5[%get3A_61, %add3A_64], %broadcast_in_dim3A_1 : memref<50x768xf32, #tpu.memory_space<vmem>>[vector<16xi32>, vector<16xi32>], vector<16xf32>,
    %get3A_65 = arith.constant 176 : index
    %get3A_66 = tpu.vector_load %arg4[%get3A_65] {strides = array<i32>} : memref<768xi32, #tpu.memory_space<vmem>>, vector<16xi32>,
    %add3A_67 = arith.constant 176 : i32
    %add3A_68 = vector.broadcast %add3A_67 : i32 to vector<16xi32>
    %add3A_69 = arith.addi %iota3A, %add3A_68 : vector<16xi32>
    tpu.vector_store_idx %arg5[%get3A_66, %add3A_69], %broadcast_in_dim3A_1 : memref<50x768xf32, #tpu.memory_space<vmem>>[vector<16xi32>, vector<16xi32>], vector<16xf32>,
    %get3A_70 = arith.constant 192 : index
    %get3A_71 = tpu.vector_load %arg4[%get3A_70] {strides = array<i32>} : memref<768xi32, #tpu.memory_space<vmem>>, vector<16xi32>,
    %add3A_72 = arith.constant 192 : i32
    %add3A_73 = vector.broadcast %add3A_72 : i32 to vector<16xi32>
    %add3A_74 = arith.addi %iota3A, %add3A_73 : vector<16xi32>
    tpu.vector_store_idx %arg5[%get3A_71, %add3A_74], %broadcast_in_dim3A_1 : memref<50x768xf32, #tpu.memory_space<vmem>>[vector<16xi32>, vector<16xi32>], vector<16xf32>,
    %get3A_75 = arith.constant 208 : index
    %get3A_76 = tpu.vector_load %arg4[%get3A_75] {strides = array<i32>} : memref<768xi32, #tpu.memory_space<vmem>>, vector<16xi32>,
    %add3A_77 = arith.constant 208 : i32
    %add3A_78 = vector.broadcast %add3A_77 : i32 to vector<16xi32>
    %add3A_79 = arith.addi %iota3A, %add3A_78 : vector<16xi32>
    tpu.vector_store_idx %arg5[%get3A_76, %add3A_79], %broadcast_in_dim3A_1 : memref<50x768xf32, #tpu.memory_space<vmem>>[vector<16xi32>, vector<16xi32>], vector<16xf32>,
    %get3A_80 = arith.constant 224 : index
    %get3A_81 = tpu.vector_load %arg4[%get3A_80] {strides = array<i32>} : memref<768xi32, #tpu.memory_space<vmem>>, vector<16xi32>,
    %add3A_82 = arith.constant 224 : i32
    %add3A_83 = vector.broadcast %add3A_82 : i32 to vector<16xi32>
    %add3A_84 = arith.addi %iota3A, %add3A_83 : vector<16xi32>
    tpu.vector_store_idx %arg5[%get3A_81, %add3A_84], %broadcast_in_dim3A_1 : memref<50x768xf32, #tpu.memory_space<vmem>>[vector<16xi32>, vector<16xi32>], vector<16xf32>,
    %get3A_85 = arith.constant 240 : index
    %get3A_86 = tpu.vector_load %arg4[%get3A_85] {strides = array<i32>} : memref<768xi32, #tpu.memory_space<vmem>>, vector<16xi32>,
    %add3A_87 = arith.constant 240 : i32
    %add3A_88 = vector.broadcast %add3A_87 : i32 to vector<16xi32>
    %add3A_89 = arith.addi %iota3A, %add3A_88 : vector<16xi32>
    tpu.vector_store_idx %arg5[%get3A_86, %add3A_89], %broadcast_in_dim3A_1 : memref<50x768xf32, #tpu.memory_space<vmem>>[vector<16xi32>, vector<16xi32>], vector<16xf32>,
    %get3A_90 = arith.constant 256 : index
    %get3A_91 = tpu.vector_load %arg4[%get3A_90] {strides = array<i32>} : memref<768xi32, #tpu.memory_space<vmem>>, vector<16xi32>,
    %add3A_92 = arith.constant 256 : i32
    %add3A_93 = vector.broadcast %add3A_92 : i32 to vector<16xi32>
    %add3A_94 = arith.addi %iota3A, %add3A_93 : vector<16xi32>
    tpu.vector_store_idx %arg5[%get3A_91, %add3A_94], %broadcast_in_dim3A_1 : memref<50x768xf32, #tpu.memory_space<vmem>>[vector<16xi32>, vector<16xi32>], vector<16xf32>,
    %get3A_95 = arith.constant 272 : index
    %get3A_96 = tpu.vector_load %arg4[%get3A_95] {strides = array<i32>} : memref<768xi32, #tpu.memory_space<vmem>>, vector<16xi32>,
    %add3A_97 = arith.constant 272 : i32
    %add3A_98 = vector.broadcast %add3A_97 : i32 to vector<16xi32>
    %add3A_99 = arith.addi %iota3A, %add3A_98 : vector<16xi32>
    tpu.vector_store_idx %arg5[%get3A_96, %add3A_99], %broadcast_in_dim3A_1 : memref<50x768xf32, #tpu.memory_space<vmem>>[vector<16xi32>, vector<16xi32>], vector<16xf32>,
    %get3A_100 = arith.constant 288 : index
    %get3A_101 = tpu.vector_load %arg4[%get3A_100] {strides = array<i32>} : memref<768xi32, #tpu.memory_space<vmem>>, vector<16xi32>,
    %add3A_102 = arith.constant 288 : i32
    %add3A_103 = vector.broadcast %add3A_102 : i32 to vector<16xi32>
    %add3A_104 = arith.addi %iota3A, %add3A_103 : vector<16xi32>
    tpu.vector_store_idx %arg5[%get3A_101, %add3A_104], %broadcast_in_dim3A_1 : memref<50x768xf32, #tpu.memory_space<vmem>>[vector<16xi32>, vector<16xi32>], vector<16xf32>,
    %get3A_105 = arith.constant 304 : index
    %get3A_106 = tpu.vector_load %arg4[%get3A_105] {strides = array<i32>} : memref<768xi32, #tpu.memory_space<vmem>>, vector<16xi32>,
    %add3A_107 = arith.constant 304 : i32
    %add3A_108 = vector.broadcast %add3A_107 : i32 to vector<16xi32>
    %add3A_109 = arith.addi %iota3A, %add3A_108 : vector<16xi32>
    tpu.vector_store_idx %arg5[%get3A_106, %add3A_109], %broadcast_in_dim3A_1 : memref<50x768xf32, #tpu.memory_space<vmem>>[vector<16xi32>, vector<16xi32>], vector<16xf32>,
    %get3A_110 = arith.constant 320 : index
    %get3A_111 = tpu.vector_load %arg4[%get3A_110] {strides = array<i32>} : memref<768xi32, #tpu.memory_space<vmem>>, vector<16xi32>,
    %add3A_112 = arith.constant 320 : i32
    %add3A_113 = vector.broadcast %add3A_112 : i32 to vector<16xi32>
    %add3A_114 = arith.addi %iota3A, %add3A_113 : vector<16xi32>
    tpu.vector_store_idx %arg5[%get3A_111, %add3A_114], %broadcast_in_dim3A_1 : memref<50x768xf32, #tpu.memory_space<vmem>>[vector<16xi32>, vector<16xi32>], vector<16xf32>,
    %get3A_115 = arith.constant 336 : index
    %get3A_116 = tpu.vector_load %arg4[%get3A_115] {strides = array<i32>} : memref<768xi32, #tpu.memory_space<vmem>>, vector<16xi32>,
    %add3A_117 = arith.constant 336 : i32
    %add3A_118 = vector.broadcast %add3A_117 : i32 to vector<16xi32>
    %add3A_119 = arith.addi %iota3A, %add3A_118 : vector<16xi32>
    tpu.vector_store_idx %arg5[%get3A_116, %add3A_119], %broadcast_in_dim3A_1 : memref<50x768xf32, #tpu.memory_space<vmem>>[vector<16xi32>, vector<16xi32>], vector<16xf32>,
    %get3A_120 = arith.constant 352 : index
    %get3A_121 = tpu.vector_load %arg4[%get3A_120] {strides = array<i32>} : memref<768xi32, #tpu.memory_space<vmem>>, vector<16xi32>,
    %add3A_122 = arith.constant 352 : i32
    %add3A_123 = vector.broadcast %add3A_122 : i32 to vector<16xi32>
    %add3A_124 = arith.addi %iota3A, %add3A_123 : vector<16xi32>
    tpu.vector_store_idx %arg5[%get3A_121, %add3A_124], %broadcast_in_dim3A_1 : memref<50x768xf32, #tpu.memory_space<vmem>>[vector<16xi32>, vector<16xi32>], vector<16xf32>,
    %get3A_125 = arith.constant 368 : index
    %get3A_126 = tpu.vector_load %arg4[%get3A_125] {strides = array<i32>} : memref<768xi32, #tpu.memory_space<vmem>>, vector<16xi32>,
    %add3A_127 = arith.constant 368 : i32
    %add3A_128 = vector.broadcast %add3A_127 : i32 to vector<16xi32>
    %add3A_129 = arith.addi %iota3A, %add3A_128 : vector<16xi32>
    tpu.vector_store_idx %arg5[%get3A_126, %add3A_129], %broadcast_in_dim3A_1 : memref<50x768xf32, #tpu.memory_space<vmem>>[vector<16xi32>, vector<16xi32>], vector<16xf32>,
    %get3A_130 = arith.constant 384 : index
    %get3A_131 = tpu.vector_load %arg4[%get3A_130] {strides = array<i32>} : memref<768xi32, #tpu.memory_space<vmem>>, vector<16xi32>,
    %add3A_132 = arith.constant 384 : i32
    %add3A_133 = vector.broadcast %add3A_132 : i32 to vector<16xi32>
    %add3A_134 = arith.addi %iota3A, %add3A_133 : vector<16xi32>
    tpu.vector_store_idx %arg5[%get3A_131, %add3A_134], %broadcast_in_dim3A_1 : memref<50x768xf32, #tpu.memory_space<vmem>>[vector<16xi32>, vector<16xi32>], vector<16xf32>,
    %get3A_135 = arith.constant 400 : index
    %get3A_136 = tpu.vector_load %arg4[%get3A_135] {strides = array<i32>} : memref<768xi32, #tpu.memory_space<vmem>>, vector<16xi32>,
    %add3A_137 = arith.constant 400 : i32
    %add3A_138 = vector.broadcast %add3A_137 : i32 to vector<16xi32>
    %add3A_139 = arith.addi %iota3A, %add3A_138 : vector<16xi32>
    tpu.vector_store_idx %arg5[%get3A_136, %add3A_139], %broadcast_in_dim3A_1 : memref<50x768xf32, #tpu.memory_space<vmem>>[vector<16xi32>, vector<16xi32>], vector<16xf32>,
    %get3A_140 = arith.constant 416 : index
    %get3A_141 = tpu.vector_load %arg4[%get3A_140] {strides = array<i32>} : memref<768xi32, #tpu.memory_space<vmem>>, vector<16xi32>,
    %add3A_142 = arith.constant 416 : i32
    %add3A_143 = vector.broadcast %add3A_142 : i32 to vector<16xi32>
    %add3A_144 = arith.addi %iota3A, %add3A_143 : vector<16xi32>
    tpu.vector_store_idx %arg5[%get3A_141, %add3A_144], %broadcast_in_dim3A_1 : memref<50x768xf32, #tpu.memory_space<vmem>>[vector<16xi32>, vector<16xi32>], vector<16xf32>,
    %get3A_145 = arith.constant 432 : index
    %get3A_146 = tpu.vector_load %arg4[%get3A_145] {strides = array<i32>} : memref<768xi32, #tpu.memory_space<vmem>>, vector<16xi32>,
    %add3A_147 = arith.constant 432 : i32
    %add3A_148 = vector.broadcast %add3A_147 : i32 to vector<16xi32>
    %add3A_149 = arith.addi %iota3A, %add3A_148 : vector<16xi32>
    tpu.vector_store_idx %arg5[%get3A_146, %add3A_149], %broadcast_in_dim3A_1 : memref<50x768xf32, #tpu.memory_space<vmem>>[vector<16xi32>, vector<16xi32>], vector<16xf32>,
    %get3A_150 = arith.constant 448 : index
    %get3A_151 = tpu.vector_load %arg4[%get3A_150] {strides = array<i32>} : memref<768xi32, #tpu.memory_space<vmem>>, vector<16xi32>,
    %add3A_152 = arith.constant 448 : i32
    %add3A_153 = vector.broadcast %add3A_152 : i32 to vector<16xi32>
    %add3A_154 = arith.addi %iota3A, %add3A_153 : vector<16xi32>
    tpu.vector_store_idx %arg5[%get3A_151, %add3A_154], %broadcast_in_dim3A_1 : memref<50x768xf32, #tpu.memory_space<vmem>>[vector<16xi32>, vector<16xi32>], vector<16xf32>,
    %get3A_155 = arith.constant 464 : index
    %get3A_156 = tpu.vector_load %arg4[%get3A_155] {strides = array<i32>} : memref<768xi32, #tpu.memory_space<vmem>>, vector<16xi32>,
    %add3A_157 = arith.constant 464 : i32
    %add3A_158 = vector.broadcast %add3A_157 : i32 to vector<16xi32>
    %add3A_159 = arith.addi %iota3A, %add3A_158 : vector<16xi32>
    tpu.vector_store_idx %arg5[%get3A_156, %add3A_159], %broadcast_in_dim3A_1 : memref<50x768xf32, #tpu.memory_space<vmem>>[vector<16xi32>, vector<16xi32>], vector<16xf32>,
    %get3A_160 = arith.constant 480 : index
    %get3A_161 = tpu.vector_load %arg4[%get3A_160] {strides = array<i32>} : memref<768xi32, #tpu.memory_space<vmem>>, vector<16xi32>,
    %add3A_162 = arith.constant 480 : i32
    %add3A_163 = vector.broadcast %add3A_162 : i32 to vector<16xi32>
    %add3A_164 = arith.addi %iota3A, %add3A_163 : vector<16xi32>
    tpu.vector_store_idx %arg5[%get3A_161, %add3A_164], %broadcast_in_dim3A_1 : memref<50x768xf32, #tpu.memory_space<vmem>>[vector<16xi32>, vector<16xi32>], vector<16xf32>,
    %get3A_165 = arith.constant 496 : index
    %get3A_166 = tpu.vector_load %arg4[%get3A_165] {strides = array<i32>} : memref<768xi32, #tpu.memory_space<vmem>>, vector<16xi32>,
    %add3A_167 = arith.constant 496 : i32
    %add3A_168 = vector.broadcast %add3A_167 : i32 to vector<16xi32>
    %add3A_169 = arith.addi %iota3A, %add3A_168 : vector<16xi32>
    tpu.vector_store_idx %arg5[%get3A_166, %add3A_169], %broadcast_in_dim3A_1 : memref<50x768xf32, #tpu.memory_space<vmem>>[vector<16xi32>, vector<16xi32>], vector<16xf32>,
    %get3A_170 = arith.constant 512 : index
    %get3A_171 = tpu.vector_load %arg4[%get3A_170] {strides = array<i32>} : memref<768xi32, #tpu.memory_space<vmem>>, vector<16xi32>,
    %add3A_172 = arith.constant 512 : i32
    %add3A_173 = vector.broadcast %add3A_172 : i32 to vector<16xi32>
    %add3A_174 = arith.addi %iota3A, %add3A_173 : vector<16xi32>
    tpu.vector_store_idx %arg5[%get3A_171, %add3A_174], %broadcast_in_dim3A_1 : memref<50x768xf32, #tpu.memory_space<vmem>>[vector<16xi32>, vector<16xi32>], vector<16xf32>,
    %get3A_175 = arith.constant 528 : index
    %get3A_176 = tpu.vector_load %arg4[%get3A_175] {strides = array<i32>} : memref<768xi32, #tpu.memory_space<vmem>>, vector<16xi32>,
    %add3A_177 = arith.constant 528 : i32
    %add3A_178 = vector.broadcast %add3A_177 : i32 to vector<16xi32>
    %add3A_179 = arith.addi %iota3A, %add3A_178 : vector<16xi32>
    tpu.vector_store_idx %arg5[%get3A_176, %add3A_179], %broadcast_in_dim3A_1 : memref<50x768xf32, #tpu.memory_space<vmem>>[vector<16xi32>, vector<16xi32>], vector<16xf32>,
    %get3A_180 = arith.constant 544 : index
    %get3A_181 = tpu.vector_load %arg4[%get3A_180] {strides = array<i32>} : memref<768xi32, #tpu.memory_space<vmem>>, vector<16xi32>,
    %add3A_182 = arith.constant 544 : i32
    %add3A_183 = vector.broadcast %add3A_182 : i32 to vector<16xi32>
    %add3A_184 = arith.addi %iota3A, %add3A_183 : vector<16xi32>
    tpu.vector_store_idx %arg5[%get3A_181, %add3A_184], %broadcast_in_dim3A_1 : memref<50x768xf32, #tpu.memory_space<vmem>>[vector<16xi32>, vector<16xi32>], vector<16xf32>,
    %get3A_185 = arith.constant 560 : index
    %get3A_186 = tpu.vector_load %arg4[%get3A_185] {strides = array<i32>} : memref<768xi32, #tpu.memory_space<vmem>>, vector<16xi32>,
    %add3A_187 = arith.constant 560 : i32
    %add3A_188 = vector.broadcast %add3A_187 : i32 to vector<16xi32>
    %add3A_189 = arith.addi %iota3A, %add3A_188 : vector<16xi32>
    tpu.vector_store_idx %arg5[%get3A_186, %add3A_189], %broadcast_in_dim3A_1 : memref<50x768xf32, #tpu.memory_space<vmem>>[vector<16xi32>, vector<16xi32>], vector<16xf32>,
    %get3A_190 = arith.constant 576 : index
    %get3A_191 = tpu.vector_load %arg4[%get3A_190] {strides = array<i32>} : memref<768xi32, #tpu.memory_space<vmem>>, vector<16xi32>,
    %add3A_192 = arith.constant 576 : i32
    %add3A_193 = vector.broadcast %add3A_192 : i32 to vector<16xi32>
    %add3A_194 = arith.addi %iota3A, %add3A_193 : vector<16xi32>
    tpu.vector_store_idx %arg5[%get3A_191, %add3A_194], %broadcast_in_dim3A_1 : memref<50x768xf32, #tpu.memory_space<vmem>>[vector<16xi32>, vector<16xi32>], vector<16xf32>,
    %get3A_195 = arith.constant 592 : index
    %get3A_196 = tpu.vector_load %arg4[%get3A_195] {strides = array<i32>} : memref<768xi32, #tpu.memory_space<vmem>>, vector<16xi32>,
    %add3A_197 = arith.constant 592 : i32
    %add3A_198 = vector.broadcast %add3A_197 : i32 to vector<16xi32>
    %add3A_199 = arith.addi %iota3A, %add3A_198 : vector<16xi32>
    tpu.vector_store_idx %arg5[%get3A_196, %add3A_199], %broadcast_in_dim3A_1 : memref<50x768xf32, #tpu.memory_space<vmem>>[vector<16xi32>, vector<16xi32>], vector<16xf32>,
    %get3A_200 = arith.constant 608 : index
    %get3A_201 = tpu.vector_load %arg4[%get3A_200] {strides = array<i32>} : memref<768xi32, #tpu.memory_space<vmem>>, vector<16xi32>,
    %add3A_202 = arith.constant 608 : i32
    %add3A_203 = vector.broadcast %add3A_202 : i32 to vector<16xi32>
    %add3A_204 = arith.addi %iota3A, %add3A_203 : vector<16xi32>
    tpu.vector_store_idx %arg5[%get3A_201, %add3A_204], %broadcast_in_dim3A_1 : memref<50x768xf32, #tpu.memory_space<vmem>>[vector<16xi32>, vector<16xi32>], vector<16xf32>,
    %get3A_205 = arith.constant 624 : index
    %get3A_206 = tpu.vector_load %arg4[%get3A_205] {strides = array<i32>} : memref<768xi32, #tpu.memory_space<vmem>>, vector<16xi32>,
    %add3A_207 = arith.constant 624 : i32
    %add3A_208 = vector.broadcast %add3A_207 : i32 to vector<16xi32>
    %add3A_209 = arith.addi %iota3A, %add3A_208 : vector<16xi32>
    tpu.vector_store_idx %arg5[%get3A_206, %add3A_209], %broadcast_in_dim3A_1 : memref<50x768xf32, #tpu.memory_space<vmem>>[vector<16xi32>, vector<16xi32>], vector<16xf32>,
    %get3A_210 = arith.constant 640 : index
    %get3A_211 = tpu.vector_load %arg4[%get3A_210] {strides = array<i32>} : memref<768xi32, #tpu.memory_space<vmem>>, vector<16xi32>,
    %add3A_212 = arith.constant 640 : i32
    %add3A_213 = vector.broadcast %add3A_212 : i32 to vector<16xi32>
    %add3A_214 = arith.addi %iota3A, %add3A_213 : vector<16xi32>
    tpu.vector_store_idx %arg5[%get3A_211, %add3A_214], %broadcast_in_dim3A_1 : memref<50x768xf32, #tpu.memory_space<vmem>>[vector<16xi32>, vector<16xi32>], vector<16xf32>,
    %get3A_215 = arith.constant 656 : index
    %get3A_216 = tpu.vector_load %arg4[%get3A_215] {strides = array<i32>} : memref<768xi32, #tpu.memory_space<vmem>>, vector<16xi32>,
    %add3A_217 = arith.constant 656 : i32
    %add3A_218 = vector.broadcast %add3A_217 : i32 to vector<16xi32>
    %add3A_219 = arith.addi %iota3A, %add3A_218 : vector<16xi32>
    tpu.vector_store_idx %arg5[%get3A_216, %add3A_219], %broadcast_in_dim3A_1 : memref<50x768xf32, #tpu.memory_space<vmem>>[vector<16xi32>, vector<16xi32>], vector<16xf32>,
    %get3A_220 = arith.constant 672 : index
    %get3A_221 = tpu.vector_load %arg4[%get3A_220] {strides = array<i32>} : memref<768xi32, #tpu.memory_space<vmem>>, vector<16xi32>,
    %add3A_222 = arith.constant 672 : i32
    %add3A_223 = vector.broadcast %add3A_222 : i32 to vector<16xi32>
    %add3A_224 = arith.addi %iota3A, %add3A_223 : vector<16xi32>
    tpu.vector_store_idx %arg5[%get3A_221, %add3A_224], %broadcast_in_dim3A_1 : memref<50x768xf32, #tpu.memory_space<vmem>>[vector<16xi32>, vector<16xi32>], vector<16xf32>,
    %get3A_225 = arith.constant 688 : index
    %get3A_226 = tpu.vector_load %arg4[%get3A_225] {strides = array<i32>} : memref<768xi32, #tpu.memory_space<vmem>>, vector<16xi32>,
    %add3A_227 = arith.constant 688 : i32
    %add3A_228 = vector.broadcast %add3A_227 : i32 to vector<16xi32>
    %add3A_229 = arith.addi %iota3A, %add3A_228 : vector<16xi32>
    tpu.vector_store_idx %arg5[%get3A_226, %add3A_229], %broadcast_in_dim3A_1 : memref<50x768xf32, #tpu.memory_space<vmem>>[vector<16xi32>, vector<16xi32>], vector<16xf32>,
    %get3A_230 = arith.constant 704 : index
    %get3A_231 = tpu.vector_load %arg4[%get3A_230] {strides = array<i32>} : memref<768xi32, #tpu.memory_space<vmem>>, vector<16xi32>,
    %add3A_232 = arith.constant 704 : i32
    %add3A_233 = vector.broadcast %add3A_232 : i32 to vector<16xi32>
    %add3A_234 = arith.addi %iota3A, %add3A_233 : vector<16xi32>
    tpu.vector_store_idx %arg5[%get3A_231, %add3A_234], %broadcast_in_dim3A_1 : memref<50x768xf32, #tpu.memory_space<vmem>>[vector<16xi32>, vector<16xi32>], vector<16xf32>,
    %get3A_235 = arith.constant 720 : index
    %get3A_236 = tpu.vector_load %arg4[%get3A_235] {strides = array<i32>} : memref<768xi32, #tpu.memory_space<vmem>>, vector<16xi32>,
    %add3A_237 = arith.constant 720 : i32
    %add3A_238 = vector.broadcast %add3A_237 : i32 to vector<16xi32>
    %add3A_239 = arith.addi %iota3A, %add3A_238 : vector<16xi32>
    tpu.vector_store_idx %arg5[%get3A_236, %add3A_239], %broadcast_in_dim3A_1 : memref<50x768xf32, #tpu.memory_space<vmem>>[vector<16xi32>, vector<16xi32>], vector<16xf32>,
    %get3A_240 = arith.constant 736 : index
    %get3A_241 = tpu.vector_load %arg4[%get3A_240] {strides = array<i32>} : memref<768xi32, #tpu.memory_space<vmem>>, vector<16xi32>,
    %add3A_242 = arith.constant 736 : i32
    %add3A_243 = vector.broadcast %add3A_242 : i32 to vector<16xi32>
    %add3A_244 = arith.addi %iota3A, %add3A_243 : vector<16xi32>
    tpu.vector_store_idx %arg5[%get3A_241, %add3A_244], %broadcast_in_dim3A_1 : memref<50x768xf32, #tpu.memory_space<vmem>>[vector<16xi32>, vector<16xi32>], vector<16xf32>,
    %get3A_245 = arith.constant 752 : index
    %get3A_246 = tpu.vector_load %arg4[%get3A_245] {strides = array<i32>} : memref<768xi32, #tpu.memory_space<vmem>>, vector<16xi32>,
    %add3A_247 = arith.constant 752 : i32
    %add3A_248 = vector.broadcast %add3A_247 : i32 to vector<16xi32>
    %add3A_249 = arith.addi %iota3A, %add3A_248 : vector<16xi32>
    tpu.vector_store_idx %arg5[%get3A_246, %add3A_249], %broadcast_in_dim3A_1 : memref<50x768xf32, #tpu.memory_space<vmem>>[vector<16xi32>, vector<16xi32>], vector<16xf32>,
    "tpu.region"() ({
      %run_scoped3A = tpu.sem_alloc : memref<!tpu.dma_semaphore, #tpu.memory_space<semaphore_mem>>
      %dma_start3A = arith.constant 0 : i32
      %dma_start3A_654 = tpu.memref_slice %arg3[%dma_start3A, %mul3A_10] : memref<50x100000xf32, #tpu.memory_space<hbm>> -> memref<50x768xf32, #tpu.memory_space<hbm>>
      %dma_start3A_655 = arith.constant 0 : i32
      %dma_start3A_656 = tpu.memref_slice %arg3[%dma_start3A_655, %mul3A_10] : memref<50x100000xf32, #tpu.memory_space<hbm>> -> memref<50x768xf32, #tpu.memory_space<hbm>>
      tpu.enqueue_dma source(%arg5 : memref<50x768xf32, #tpu.memory_space<vmem>>) target(%dma_start3A_656 : memref<50x768xf32, #tpu.memory_space<hbm>>) target_semaphore(%run_scoped3A : memref<!tpu.dma_semaphore, #tpu.memory_space<semaphore_mem>>)
      %dma_wait3A = arith.constant 0 : i32
      %dma_wait3A_657 = tpu.memref_slice %arg3[%dma_wait3A, %mul3A_10] : memref<50x100000xf32, #tpu.memory_space<hbm>> -> memref<50x768xf32, #tpu.memory_space<hbm>>
      %dma_wait3A_658 = arith.constant 0 : i32
      %dma_wait3A_659 = tpu.memref_slice %arg3[%dma_wait3A_658, %mul3A_10] : memref<50x100000xf32, #tpu.memory_space<hbm>> -> memref<50x768xf32, #tpu.memory_space<hbm>>
      tpu.wait_dma2 semaphore(%run_scoped3A : memref<!tpu.dma_semaphore, #tpu.memory_space<semaphore_mem>>) src(%arg5 : memref<50x768xf32, #tpu.memory_space<vmem>>) dst(%dma_wait3A_659 : memref<50x768xf32, #tpu.memory_space<hbm>>)
      tpu.yield
    }) : () -> ()
    %get3A_250 = arith.constant 0 : index
    %get3A_251 = tpu.vector_load %arg4[%get3A_250] {strides = array<i32>} : memref<768xi32, #tpu.memory_space<vmem>>, vector<16xi32>,
    %add3A_252 = arith.constant 0 : i32
    %add3A_253 = vector.broadcast %add3A_252 : i32 to vector<16xi32>
    %add3A_254 = arith.addi %iota3A, %add3A_253 : vector<16xi32>
    tpu.vector_store_idx %arg5[%get3A_251, %add3A_254], %broadcast_in_dim3A_3 : memref<50x768xf32, #tpu.memory_space<vmem>>[vector<16xi32>, vector<16xi32>], vector<16xf32>,
    %get3A_255 = arith.constant 16 : index
    %get3A_256 = tpu.vector_load %arg4[%get3A_255] {strides = array<i32>} : memref<768xi32, #tpu.memory_space<vmem>>, vector<16xi32>,
    %add3A_257 = arith.constant 16 : i32
    %add3A_258 = vector.broadcast %add3A_257 : i32 to vector<16xi32>
    %add3A_259 = arith.addi %iota3A, %add3A_258 : vector<16xi32>
    tpu.vector_store_idx %arg5[%get3A_256, %add3A_259], %broadcast_in_dim3A_3 : memref<50x768xf32, #tpu.memory_space<vmem>>[vector<16xi32>, vector<16xi32>], vector<16xf32>,
    %get3A_260 = arith.constant 32 : index
    %get3A_261 = tpu.vector_load %arg4[%get3A_260] {strides = array<i32>} : memref<768xi32, #tpu.memory_space<vmem>>, vector<16xi32>,
    %add3A_262 = arith.constant 32 : i32
    %add3A_263 = vector.broadcast %add3A_262 : i32 to vector<16xi32>
    %add3A_264 = arith.addi %iota3A, %add3A_263 : vector<16xi32>
    tpu.vector_store_idx %arg5[%get3A_261, %add3A_264], %broadcast_in_dim3A_3 : memref<50x768xf32, #tpu.memory_space<vmem>>[vector<16xi32>, vector<16xi32>], vector<16xf32>,
    %get3A_265 = arith.constant 48 : index
    %get3A_266 = tpu.vector_load %arg4[%get3A_265] {strides = array<i32>} : memref<768xi32, #tpu.memory_space<vmem>>, vector<16xi32>,
    %add3A_267 = arith.constant 48 : i32
    %add3A_268 = vector.broadcast %add3A_267 : i32 to vector<16xi32>
    %add3A_269 = arith.addi %iota3A, %add3A_268 : vector<16xi32>
    tpu.vector_store_idx %arg5[%get3A_266, %add3A_269], %broadcast_in_dim3A_3 : memref<50x768xf32, #tpu.memory_space<vmem>>[vector<16xi32>, vector<16xi32>], vector<16xf32>,
    %get3A_270 = arith.constant 64 : index
    %get3A_271 = tpu.vector_load %arg4[%get3A_270] {strides = array<i32>} : memref<768xi32, #tpu.memory_space<vmem>>, vector<16xi32>,
    %add3A_272 = arith.constant 64 : i32
    %add3A_273 = vector.broadcast %add3A_272 : i32 to vector<16xi32>
    %add3A_274 = arith.addi %iota3A, %add3A_273 : vector<16xi32>
    tpu.vector_store_idx %arg5[%get3A_271, %add3A_274], %broadcast_in_dim3A_3 : memref<50x768xf32, #tpu.memory_space<vmem>>[vector<16xi32>, vector<16xi32>], vector<16xf32>,
    %get3A_275 = arith.constant 80 : index
    %get3A_276 = tpu.vector_load %arg4[%get3A_275] {strides = array<i32>} : memref<768xi32, #tpu.memory_space<vmem>>, vector<16xi32>,
    %add3A_277 = arith.constant 80 : i32
    %add3A_278 = vector.broadcast %add3A_277 : i32 to vector<16xi32>
    %add3A_279 = arith.addi %iota3A, %add3A_278 : vector<16xi32>
    tpu.vector_store_idx %arg5[%get3A_276, %add3A_279], %broadcast_in_dim3A_3 : memref<50x768xf32, #tpu.memory_space<vmem>>[vector<16xi32>, vector<16xi32>], vector<16xf32>,
    %get3A_280 = arith.constant 96 : index
    %get3A_281 = tpu.vector_load %arg4[%get3A_280] {strides = array<i32>} : memref<768xi32, #tpu.memory_space<vmem>>, vector<16xi32>,
    %add3A_282 = arith.constant 96 : i32
    %add3A_283 = vector.broadcast %add3A_282 : i32 to vector<16xi32>
    %add3A_284 = arith.addi %iota3A, %add3A_283 : vector<16xi32>
    tpu.vector_store_idx %arg5[%get3A_281, %add3A_284], %broadcast_in_dim3A_3 : memref<50x768xf32, #tpu.memory_space<vmem>>[vector<16xi32>, vector<16xi32>], vector<16xf32>,
    %get3A_285 = arith.constant 112 : index
    %get3A_286 = tpu.vector_load %arg4[%get3A_285] {strides = array<i32>} : memref<768xi32, #tpu.memory_space<vmem>>, vector<16xi32>,
    %add3A_287 = arith.constant 112 : i32
    %add3A_288 = vector.broadcast %add3A_287 : i32 to vector<16xi32>
    %add3A_289 = arith.addi %iota3A, %add3A_288 : vector<16xi32>
    tpu.vector_store_idx %arg5[%get3A_286, %add3A_289], %broadcast_in_dim3A_3 : memref<50x768xf32, #tpu.memory_space<vmem>>[vector<16xi32>, vector<16xi32>], vector<16xf32>,
    %get3A_290 = arith.constant 128 : index
    %get3A_291 = tpu.vector_load %arg4[%get3A_290] {strides = array<i32>} : memref<768xi32, #tpu.memory_space<vmem>>, vector<16xi32>,
    %add3A_292 = arith.constant 128 : i32
    %add3A_293 = vector.broadcast %add3A_292 : i32 to vector<16xi32>
    %add3A_294 = arith.addi %iota3A, %add3A_293 : vector<16xi32>
    tpu.vector_store_idx %arg5[%get3A_291, %add3A_294], %broadcast_in_dim3A_3 : memref<50x768xf32, #tpu.memory_space<vmem>>[vector<16xi32>, vector<16xi32>], vector<16xf32>,
    %get3A_295 = arith.constant 144 : index
    %get3A_296 = tpu.vector_load %arg4[%get3A_295] {strides = array<i32>} : memref<768xi32, #tpu.memory_space<vmem>>, vector<16xi32>,
    %add3A_297 = arith.constant 144 : i32
    %add3A_298 = vector.broadcast %add3A_297 : i32 to vector<16xi32>
    %add3A_299 = arith.addi %iota3A, %add3A_298 : vector<16xi32>
    tpu.vector_store_idx %arg5[%get3A_296, %add3A_299], %broadcast_in_dim3A_3 : memref<50x768xf32, #tpu.memory_space<vmem>>[vector<16xi32>, vector<16xi32>], vector<16xf32>,
    %get3A_300 = arith.constant 160 : index
    %get3A_301 = tpu.vector_load %arg4[%get3A_300] {strides = array<i32>} : memref<768xi32, #tpu.memory_space<vmem>>, vector<16xi32>,
    %add3A_302 = arith.constant 160 : i32
    %add3A_303 = vector.broadcast %add3A_302 : i32 to vector<16xi32>
    %add3A_304 = arith.addi %iota3A, %add3A_303 : vector<16xi32>
    tpu.vector_store_idx %arg5[%get3A_301, %add3A_304], %broadcast_in_dim3A_3 : memref<50x768xf32, #tpu.memory_space<vmem>>[vector<16xi32>, vector<16xi32>], vector<16xf32>,
    %get3A_305 = arith.constant 176 : index
    %get3A_306 = tpu.vector_load %arg4[%get3A_305] {strides = array<i32>} : memref<768xi32, #tpu.memory_space<vmem>>, vector<16xi32>,
    %add3A_307 = arith.constant 176 : i32
    %add3A_308 = vector.broadcast %add3A_307 : i32 to vector<16xi32>
    %add3A_309 = arith.addi %iota3A, %add3A_308 : vector<16xi32>
    tpu.vector_store_idx %arg5[%get3A_306, %add3A_309], %broadcast_in_dim3A_3 : memref<50x768xf32, #tpu.memory_space<vmem>>[vector<16xi32>, vector<16xi32>], vector<16xf32>,
    %get3A_310 = arith.constant 192 : index
    %get3A_311 = tpu.vector_load %arg4[%get3A_310] {strides = array<i32>} : memref<768xi32, #tpu.memory_space<vmem>>, vector<16xi32>,
    %add3A_312 = arith.constant 192 : i32
    %add3A_313 = vector.broadcast %add3A_312 : i32 to vector<16xi32>
    %add3A_314 = arith.addi %iota3A, %add3A_313 : vector<16xi32>
    tpu.vector_store_idx %arg5[%get3A_311, %add3A_314], %broadcast_in_dim3A_3 : memref<50x768xf32, #tpu.memory_space<vmem>>[vector<16xi32>, vector<16xi32>], vector<16xf32>,
    %get3A_315 = arith.constant 208 : index
    %get3A_316 = tpu.vector_load %arg4[%get3A_315] {strides = array<i32>} : memref<768xi32, #tpu.memory_space<vmem>>, vector<16xi32>,
    %add3A_317 = arith.constant 208 : i32
    %add3A_318 = vector.broadcast %add3A_317 : i32 to vector<16xi32>
    %add3A_319 = arith.addi %iota3A, %add3A_318 : vector<16xi32>
    tpu.vector_store_idx %arg5[%get3A_316, %add3A_319], %broadcast_in_dim3A_3 : memref<50x768xf32, #tpu.memory_space<vmem>>[vector<16xi32>, vector<16xi32>], vector<16xf32>,
    %get3A_320 = arith.constant 224 : index
    %get3A_321 = tpu.vector_load %arg4[%get3A_320] {strides = array<i32>} : memref<768xi32, #tpu.memory_space<vmem>>, vector<16xi32>,
    %add3A_322 = arith.constant 224 : i32
    %add3A_323 = vector.broadcast %add3A_322 : i32 to vector<16xi32>
    %add3A_324 = arith.addi %iota3A, %add3A_323 : vector<16xi32>
    tpu.vector_store_idx %arg5[%get3A_321, %add3A_324], %broadcast_in_dim3A_3 : memref<50x768xf32, #tpu.memory_space<vmem>>[vector<16xi32>, vector<16xi32>], vector<16xf32>,
    %get3A_325 = arith.constant 240 : index
    %get3A_326 = tpu.vector_load %arg4[%get3A_325] {strides = array<i32>} : memref<768xi32, #tpu.memory_space<vmem>>, vector<16xi32>,
    %add3A_327 = arith.constant 240 : i32
    %add3A_328 = vector.broadcast %add3A_327 : i32 to vector<16xi32>
    %add3A_329 = arith.addi %iota3A, %add3A_328 : vector<16xi32>
    tpu.vector_store_idx %arg5[%get3A_326, %add3A_329], %broadcast_in_dim3A_3 : memref<50x768xf32, #tpu.memory_space<vmem>>[vector<16xi32>, vector<16xi32>], vector<16xf32>,
    %get3A_330 = arith.constant 256 : index
    %get3A_331 = tpu.vector_load %arg4[%get3A_330] {strides = array<i32>} : memref<768xi32, #tpu.memory_space<vmem>>, vector<16xi32>,
    %add3A_332 = arith.constant 256 : i32
    %add3A_333 = vector.broadcast %add3A_332 : i32 to vector<16xi32>
    %add3A_334 = arith.addi %iota3A, %add3A_333 : vector<16xi32>
    tpu.vector_store_idx %arg5[%get3A_331, %add3A_334], %broadcast_in_dim3A_3 : memref<50x768xf32, #tpu.memory_space<vmem>>[vector<16xi32>, vector<16xi32>], vector<16xf32>,
    %get3A_335 = arith.constant 272 : index
    %get3A_336 = tpu.vector_load %arg4[%get3A_335] {strides = array<i32>} : memref<768xi32, #tpu.memory_space<vmem>>, vector<16xi32>,
    %add3A_337 = arith.constant 272 : i32
    %add3A_338 = vector.broadcast %add3A_337 : i32 to vector<16xi32>
    %add3A_339 = arith.addi %iota3A, %add3A_338 : vector<16xi32>
    tpu.vector_store_idx %arg5[%get3A_336, %add3A_339], %broadcast_in_dim3A_3 : memref<50x768xf32, #tpu.memory_space<vmem>>[vector<16xi32>, vector<16xi32>], vector<16xf32>,
    %get3A_340 = arith.constant 288 : index
    %get3A_341 = tpu.vector_load %arg4[%get3A_340] {strides = array<i32>} : memref<768xi32, #tpu.memory_space<vmem>>, vector<16xi32>,
    %add3A_342 = arith.constant 288 : i32
    %add3A_343 = vector.broadcast %add3A_342 : i32 to vector<16xi32>
    %add3A_344 = arith.addi %iota3A, %add3A_343 : vector<16xi32>
    tpu.vector_store_idx %arg5[%get3A_341, %add3A_344], %broadcast_in_dim3A_3 : memref<50x768xf32, #tpu.memory_space<vmem>>[vector<16xi32>, vector<16xi32>], vector<16xf32>,
    %get3A_345 = arith.constant 304 : index
    %get3A_346 = tpu.vector_load %arg4[%get3A_345] {strides = array<i32>} : memref<768xi32, #tpu.memory_space<vmem>>, vector<16xi32>,
    %add3A_347 = arith.constant 304 : i32
    %add3A_348 = vector.broadcast %add3A_347 : i32 to vector<16xi32>
    %add3A_349 = arith.addi %iota3A, %add3A_348 : vector<16xi32>
    tpu.vector_store_idx %arg5[%get3A_346, %add3A_349], %broadcast_in_dim3A_3 : memref<50x768xf32, #tpu.memory_space<vmem>>[vector<16xi32>, vector<16xi32>], vector<16xf32>,
    %get3A_350 = arith.constant 320 : index
    %get3A_351 = tpu.vector_load %arg4[%get3A_350] {strides = array<i32>} : memref<768xi32, #tpu.memory_space<vmem>>, vector<16xi32>,
    %add3A_352 = arith.constant 320 : i32
    %add3A_353 = vector.broadcast %add3A_352 : i32 to vector<16xi32>
    %add3A_354 = arith.addi %iota3A, %add3A_353 : vector<16xi32>
    tpu.vector_store_idx %arg5[%get3A_351, %add3A_354], %broadcast_in_dim3A_3 : memref<50x768xf32, #tpu.memory_space<vmem>>[vector<16xi32>, vector<16xi32>], vector<16xf32>,
    %get3A_355 = arith.constant 336 : index
    %get3A_356 = tpu.vector_load %arg4[%get3A_355] {strides = array<i32>} : memref<768xi32, #tpu.memory_space<vmem>>, vector<16xi32>,
    %add3A_357 = arith.constant 336 : i32
    %add3A_358 = vector.broadcast %add3A_357 : i32 to vector<16xi32>
    %add3A_359 = arith.addi %iota3A, %add3A_358 : vector<16xi32>
    tpu.vector_store_idx %arg5[%get3A_356, %add3A_359], %broadcast_in_dim3A_3 : memref<50x768xf32, #tpu.memory_space<vmem>>[vector<16xi32>, vector<16xi32>], vector<16xf32>,
    %get3A_360 = arith.constant 352 : index
    %get3A_361 = tpu.vector_load %arg4[%get3A_360] {strides = array<i32>} : memref<768xi32, #tpu.memory_space<vmem>>, vector<16xi32>,
    %add3A_362 = arith.constant 352 : i32
    %add3A_363 = vector.broadcast %add3A_362 : i32 to vector<16xi32>
    %add3A_364 = arith.addi %iota3A, %add3A_363 : vector<16xi32>
    tpu.vector_store_idx %arg5[%get3A_361, %add3A_364], %broadcast_in_dim3A_3 : memref<50x768xf32, #tpu.memory_space<vmem>>[vector<16xi32>, vector<16xi32>], vector<16xf32>,
    %get3A_365 = arith.constant 368 : index
    %get3A_366 = tpu.vector_load %arg4[%get3A_365] {strides = array<i32>} : memref<768xi32, #tpu.memory_space<vmem>>, vector<16xi32>,
    %add3A_367 = arith.constant 368 : i32
    %add3A_368 = vector.broadcast %add3A_367 : i32 to vector<16xi32>
    %add3A_369 = arith.addi %iota3A, %add3A_368 : vector<16xi32>
    tpu.vector_store_idx %arg5[%get3A_366, %add3A_369], %broadcast_in_dim3A_3 : memref<50x768xf32, #tpu.memory_space<vmem>>[vector<16xi32>, vector<16xi32>], vector<16xf32>,
    %get3A_370 = arith.constant 384 : index
    %get3A_371 = tpu.vector_load %arg4[%get3A_370] {strides = array<i32>} : memref<768xi32, #tpu.memory_space<vmem>>, vector<16xi32>,
    %add3A_372 = arith.constant 384 : i32
    %add3A_373 = vector.broadcast %add3A_372 : i32 to vector<16xi32>
    %add3A_374 = arith.addi %iota3A, %add3A_373 : vector<16xi32>
    tpu.vector_store_idx %arg5[%get3A_371, %add3A_374], %broadcast_in_dim3A_3 : memref<50x768xf32, #tpu.memory_space<vmem>>[vector<16xi32>, vector<16xi32>], vector<16xf32>,
    %get3A_375 = arith.constant 400 : index
    %get3A_376 = tpu.vector_load %arg4[%get3A_375] {strides = array<i32>} : memref<768xi32, #tpu.memory_space<vmem>>, vector<16xi32>,
    %add3A_377 = arith.constant 400 : i32
    %add3A_378 = vector.broadcast %add3A_377 : i32 to vector<16xi32>
    %add3A_379 = arith.addi %iota3A, %add3A_378 : vector<16xi32>
    tpu.vector_store_idx %arg5[%get3A_376, %add3A_379], %broadcast_in_dim3A_3 : memref<50x768xf32, #tpu.memory_space<vmem>>[vector<16xi32>, vector<16xi32>], vector<16xf32>,
    %get3A_380 = arith.constant 416 : index
    %get3A_381 = tpu.vector_load %arg4[%get3A_380] {strides = array<i32>} : memref<768xi32, #tpu.memory_space<vmem>>, vector<16xi32>,
    %add3A_382 = arith.constant 416 : i32
    %add3A_383 = vector.broadcast %add3A_382 : i32 to vector<16xi32>
    %add3A_384 = arith.addi %iota3A, %add3A_383 : vector<16xi32>
    tpu.vector_store_idx %arg5[%get3A_381, %add3A_384], %broadcast_in_dim3A_3 : memref<50x768xf32, #tpu.memory_space<vmem>>[vector<16xi32>, vector<16xi32>], vector<16xf32>,
    %get3A_385 = arith.constant 432 : index
    %get3A_386 = tpu.vector_load %arg4[%get3A_385] {strides = array<i32>} : memref<768xi32, #tpu.memory_space<vmem>>, vector<16xi32>,
    %add3A_387 = arith.constant 432 : i32
    %add3A_388 = vector.broadcast %add3A_387 : i32 to vector<16xi32>
    %add3A_389 = arith.addi %iota3A, %add3A_388 : vector<16xi32>
    tpu.vector_store_idx %arg5[%get3A_386, %add3A_389], %broadcast_in_dim3A_3 : memref<50x768xf32, #tpu.memory_space<vmem>>[vector<16xi32>, vector<16xi32>], vector<16xf32>,
    %get3A_390 = arith.constant 448 : index
    %get3A_391 = tpu.vector_load %arg4[%get3A_390] {strides = array<i32>} : memref<768xi32, #tpu.memory_space<vmem>>, vector<16xi32>,
    %add3A_392 = arith.constant 448 : i32
    %add3A_393 = vector.broadcast %add3A_392 : i32 to vector<16xi32>
    %add3A_394 = arith.addi %iota3A, %add3A_393 : vector<16xi32>
    tpu.vector_store_idx %arg5[%get3A_391, %add3A_394], %broadcast_in_dim3A_3 : memref<50x768xf32, #tpu.memory_space<vmem>>[vector<16xi32>, vector<16xi32>], vector<16xf32>,
    %get3A_395 = arith.constant 464 : index
    %get3A_396 = tpu.vector_load %arg4[%get3A_395] {strides = array<i32>} : memref<768xi32, #tpu.memory_space<vmem>>, vector<16xi32>,
    %add3A_397 = arith.constant 464 : i32
    %add3A_398 = vector.broadcast %add3A_397 : i32 to vector<16xi32>
    %add3A_399 = arith.addi %iota3A, %add3A_398 : vector<16xi32>
    tpu.vector_store_idx %arg5[%get3A_396, %add3A_399], %broadcast_in_dim3A_3 : memref<50x768xf32, #tpu.memory_space<vmem>>[vector<16xi32>, vector<16xi32>], vector<16xf32>,
    %get3A_400 = arith.constant 480 : index
    %get3A_401 = tpu.vector_load %arg4[%get3A_400] {strides = array<i32>} : memref<768xi32, #tpu.memory_space<vmem>>, vector<16xi32>,
    %add3A_402 = arith.constant 480 : i32
    %add3A_403 = vector.broadcast %add3A_402 : i32 to vector<16xi32>
    %add3A_404 = arith.addi %iota3A, %add3A_403 : vector<16xi32>
    tpu.vector_store_idx %arg5[%get3A_401, %add3A_404], %broadcast_in_dim3A_3 : memref<50x768xf32, #tpu.memory_space<vmem>>[vector<16xi32>, vector<16xi32>], vector<16xf32>,
    %get3A_405 = arith.constant 496 : index
    %get3A_406 = tpu.vector_load %arg4[%get3A_405] {strides = array<i32>} : memref<768xi32, #tpu.memory_space<vmem>>, vector<16xi32>,
    %add3A_407 = arith.constant 496 : i32
    %add3A_408 = vector.broadcast %add3A_407 : i32 to vector<16xi32>
    %add3A_409 = arith.addi %iota3A, %add3A_408 : vector<16xi32>
    tpu.vector_store_idx %arg5[%get3A_406, %add3A_409], %broadcast_in_dim3A_3 : memref<50x768xf32, #tpu.memory_space<vmem>>[vector<16xi32>, vector<16xi32>], vector<16xf32>,
    %get3A_410 = arith.constant 512 : index
    %get3A_411 = tpu.vector_load %arg4[%get3A_410] {strides = array<i32>} : memref<768xi32, #tpu.memory_space<vmem>>, vector<16xi32>,
    %add3A_412 = arith.constant 512 : i32
    %add3A_413 = vector.broadcast %add3A_412 : i32 to vector<16xi32>
    %add3A_414 = arith.addi %iota3A, %add3A_413 : vector<16xi32>
    tpu.vector_store_idx %arg5[%get3A_411, %add3A_414], %broadcast_in_dim3A_3 : memref<50x768xf32, #tpu.memory_space<vmem>>[vector<16xi32>, vector<16xi32>], vector<16xf32>,
    %get3A_415 = arith.constant 528 : index
    %get3A_416 = tpu.vector_load %arg4[%get3A_415] {strides = array<i32>} : memref<768xi32, #tpu.memory_space<vmem>>, vector<16xi32>,
    %add3A_417 = arith.constant 528 : i32
    %add3A_418 = vector.broadcast %add3A_417 : i32 to vector<16xi32>
    %add3A_419 = arith.addi %iota3A, %add3A_418 : vector<16xi32>
    tpu.vector_store_idx %arg5[%get3A_416, %add3A_419], %broadcast_in_dim3A_3 : memref<50x768xf32, #tpu.memory_space<vmem>>[vector<16xi32>, vector<16xi32>], vector<16xf32>,
    %get3A_420 = arith.constant 544 : index
    %get3A_421 = tpu.vector_load %arg4[%get3A_420] {strides = array<i32>} : memref<768xi32, #tpu.memory_space<vmem>>, vector<16xi32>,
    %add3A_422 = arith.constant 544 : i32
    %add3A_423 = vector.broadcast %add3A_422 : i32 to vector<16xi32>
    %add3A_424 = arith.addi %iota3A, %add3A_423 : vector<16xi32>
    tpu.vector_store_idx %arg5[%get3A_421, %add3A_424], %broadcast_in_dim3A_3 : memref<50x768xf32, #tpu.memory_space<vmem>>[vector<16xi32>, vector<16xi32>], vector<16xf32>,
    %get3A_425 = arith.constant 560 : index
    %get3A_426 = tpu.vector_load %arg4[%get3A_425] {strides = array<i32>} : memref<768xi32, #tpu.memory_space<vmem>>, vector<16xi32>,
    %add3A_427 = arith.constant 560 : i32
    %add3A_428 = vector.broadcast %add3A_427 : i32 to vector<16xi32>
    %add3A_429 = arith.addi %iota3A, %add3A_428 : vector<16xi32>
    tpu.vector_store_idx %arg5[%get3A_426, %add3A_429], %broadcast_in_dim3A_3 : memref<50x768xf32, #tpu.memory_space<vmem>>[vector<16xi32>, vector<16xi32>], vector<16xf32>,
    %get3A_430 = arith.constant 576 : index
    %get3A_431 = tpu.vector_load %arg4[%get3A_430] {strides = array<i32>} : memref<768xi32, #tpu.memory_space<vmem>>, vector<16xi32>,
    %add3A_432 = arith.constant 576 : i32
    %add3A_433 = vector.broadcast %add3A_432 : i32 to vector<16xi32>
    %add3A_434 = arith.addi %iota3A, %add3A_433 : vector<16xi32>
    tpu.vector_store_idx %arg5[%get3A_431, %add3A_434], %broadcast_in_dim3A_3 : memref<50x768xf32, #tpu.memory_space<vmem>>[vector<16xi32>, vector<16xi32>], vector<16xf32>,
    %get3A_435 = arith.constant 592 : index
    %get3A_436 = tpu.vector_load %arg4[%get3A_435] {strides = array<i32>} : memref<768xi32, #tpu.memory_space<vmem>>, vector<16xi32>,
    %add3A_437 = arith.constant 592 : i32
    %add3A_438 = vector.broadcast %add3A_437 : i32 to vector<16xi32>
    %add3A_439 = arith.addi %iota3A, %add3A_438 : vector<16xi32>
    tpu.vector_store_idx %arg5[%get3A_436, %add3A_439], %broadcast_in_dim3A_3 : memref<50x768xf32, #tpu.memory_space<vmem>>[vector<16xi32>, vector<16xi32>], vector<16xf32>,
    %get3A_440 = arith.constant 608 : index
    %get3A_441 = tpu.vector_load %arg4[%get3A_440] {strides = array<i32>} : memref<768xi32, #tpu.memory_space<vmem>>, vector<16xi32>,
    %add3A_442 = arith.constant 608 : i32
    %add3A_443 = vector.broadcast %add3A_442 : i32 to vector<16xi32>
    %add3A_444 = arith.addi %iota3A, %add3A_443 : vector<16xi32>
    tpu.vector_store_idx %arg5[%get3A_441, %add3A_444], %broadcast_in_dim3A_3 : memref<50x768xf32, #tpu.memory_space<vmem>>[vector<16xi32>, vector<16xi32>], vector<16xf32>,
    %get3A_445 = arith.constant 624 : index
    %get3A_446 = tpu.vector_load %arg4[%get3A_445] {strides = array<i32>} : memref<768xi32, #tpu.memory_space<vmem>>, vector<16xi32>,
    %add3A_447 = arith.constant 624 : i32
    %add3A_448 = vector.broadcast %add3A_447 : i32 to vector<16xi32>
    %add3A_449 = arith.addi %iota3A, %add3A_448 : vector<16xi32>
    tpu.vector_store_idx %arg5[%get3A_446, %add3A_449], %broadcast_in_dim3A_3 : memref<50x768xf32, #tpu.memory_space<vmem>>[vector<16xi32>, vector<16xi32>], vector<16xf32>,
    %get3A_450 = arith.constant 640 : index
    %get3A_451 = tpu.vector_load %arg4[%get3A_450] {strides = array<i32>} : memref<768xi32, #tpu.memory_space<vmem>>, vector<16xi32>,
    %add3A_452 = arith.constant 640 : i32
    %add3A_453 = vector.broadcast %add3A_452 : i32 to vector<16xi32>
    %add3A_454 = arith.addi %iota3A, %add3A_453 : vector<16xi32>
    tpu.vector_store_idx %arg5[%get3A_451, %add3A_454], %broadcast_in_dim3A_3 : memref<50x768xf32, #tpu.memory_space<vmem>>[vector<16xi32>, vector<16xi32>], vector<16xf32>,
    %get3A_455 = arith.constant 656 : index
    %get3A_456 = tpu.vector_load %arg4[%get3A_455] {strides = array<i32>} : memref<768xi32, #tpu.memory_space<vmem>>, vector<16xi32>,
    %add3A_457 = arith.constant 656 : i32
    %add3A_458 = vector.broadcast %add3A_457 : i32 to vector<16xi32>
    %add3A_459 = arith.addi %iota3A, %add3A_458 : vector<16xi32>
    tpu.vector_store_idx %arg5[%get3A_456, %add3A_459], %broadcast_in_dim3A_3 : memref<50x768xf32, #tpu.memory_space<vmem>>[vector<16xi32>, vector<16xi32>], vector<16xf32>,
    %get3A_460 = arith.constant 672 : index
    %get3A_461 = tpu.vector_load %arg4[%get3A_460] {strides = array<i32>} : memref<768xi32, #tpu.memory_space<vmem>>, vector<16xi32>,
    %add3A_462 = arith.constant 672 : i32
    %add3A_463 = vector.broadcast %add3A_462 : i32 to vector<16xi32>
    %add3A_464 = arith.addi %iota3A, %add3A_463 : vector<16xi32>
    tpu.vector_store_idx %arg5[%get3A_461, %add3A_464], %broadcast_in_dim3A_3 : memref<50x768xf32, #tpu.memory_space<vmem>>[vector<16xi32>, vector<16xi32>], vector<16xf32>,
    %get3A_465 = arith.constant 688 : index
    %get3A_466 = tpu.vector_load %arg4[%get3A_465] {strides = array<i32>} : memref<768xi32, #tpu.memory_space<vmem>>, vector<16xi32>,
    %add3A_467 = arith.constant 688 : i32
    %add3A_468 = vector.broadcast %add3A_467 : i32 to vector<16xi32>
    %add3A_469 = arith.addi %iota3A, %add3A_468 : vector<16xi32>
    tpu.vector_store_idx %arg5[%get3A_466, %add3A_469], %broadcast_in_dim3A_3 : memref<50x768xf32, #tpu.memory_space<vmem>>[vector<16xi32>, vector<16xi32>], vector<16xf32>,
    %get3A_470 = arith.constant 704 : index
    %get3A_471 = tpu.vector_load %arg4[%get3A_470] {strides = array<i32>} : memref<768xi32, #tpu.memory_space<vmem>>, vector<16xi32>,
    %add3A_472 = arith.constant 704 : i32
    %add3A_473 = vector.broadcast %add3A_472 : i32 to vector<16xi32>
    %add3A_474 = arith.addi %iota3A, %add3A_473 : vector<16xi32>
    tpu.vector_store_idx %arg5[%get3A_471, %add3A_474], %broadcast_in_dim3A_3 : memref<50x768xf32, #tpu.memory_space<vmem>>[vector<16xi32>, vector<16xi32>], vector<16xf32>,
    %get3A_475 = arith.constant 720 : index
    %get3A_476 = tpu.vector_load %arg4[%get3A_475] {strides = array<i32>} : memref<768xi32, #tpu.memory_space<vmem>>, vector<16xi32>,
    %add3A_477 = arith.constant 720 : i32
    %add3A_478 = vector.broadcast %add3A_477 : i32 to vector<16xi32>
    %add3A_479 = arith.addi %iota3A, %add3A_478 : vector<16xi32>
    tpu.vector_store_idx %arg5[%get3A_476, %add3A_479], %broadcast_in_dim3A_3 : memref<50x768xf32, #tpu.memory_space<vmem>>[vector<16xi32>, vector<16xi32>], vector<16xf32>,
    %get3A_480 = arith.constant 736 : index
    %get3A_481 = tpu.vector_load %arg4[%get3A_480] {strides = array<i32>} : memref<768xi32, #tpu.memory_space<vmem>>, vector<16xi32>,
    %add3A_482 = arith.constant 736 : i32
    %add3A_483 = vector.broadcast %add3A_482 : i32 to vector<16xi32>
    %add3A_484 = arith.addi %iota3A, %add3A_483 : vector<16xi32>
    tpu.vector_store_idx %arg5[%get3A_481, %add3A_484], %broadcast_in_dim3A_3 : memref<50x768xf32, #tpu.memory_space<vmem>>[vector<16xi32>, vector<16xi32>], vector<16xf32>,
    %get3A_485 = arith.constant 752 : index
    %get3A_486 = tpu.vector_load %arg4[%get3A_485] {strides = array<i32>} : memref<768xi32, #tpu.memory_space<vmem>>, vector<16xi32>,
    %add3A_487 = arith.constant 752 : i32
    %add3A_488 = vector.broadcast %add3A_487 : i32 to vector<16xi32>
    %add3A_489 = arith.addi %iota3A, %add3A_488 : vector<16xi32>
    tpu.vector_store_idx %arg5[%get3A_486, %add3A_489], %broadcast_in_dim3A_3 : memref<50x768xf32, #tpu.memory_space<vmem>>[vector<16xi32>, vector<16xi32>], vector<16xf32>,
    %mul3A_490 = arith.constant 512 : i32
    %mul3A_491 = arith.muli %add3A, %mul3A_490 : i32
    %add3A_492 = arith.constant 24576 : i32
    %add3A_493 = arith.addi %add3A_492, %mul3A_491 : i32
    "tpu.region"() ({
      %run_scoped3A = tpu.sem_alloc : memref<!tpu.dma_semaphore, #tpu.memory_space<semaphore_mem>>
      %dma_start3A = arith.constant 0 : i32
      %dma_start3A_654 = tpu.memref_slice %arg4[%dma_start3A] : memref<768xi32, #tpu.memory_space<vmem>> -> memref<512xi32, #tpu.memory_space<vmem>>
      %dma_start3A_655 = tpu.memref_slice %arg2[%add3A_493] : memref<100000xi32, #tpu.memory_space<hbm>> -> memref<512xi32, #tpu.memory_space<hbm>>
      %dma_start3A_656 = arith.constant 0 : i32
      %dma_start3A_657 = tpu.memref_slice %arg4[%dma_start3A_656] : memref<768xi32, #tpu.memory_space<vmem>> -> memref<512xi32, #tpu.memory_space<vmem>>
      %dma_start3A_658 = tpu.memref_slice %arg2[%add3A_493] : memref<100000xi32, #tpu.memory_space<hbm>> -> memref<512xi32, #tpu.memory_space<hbm>>
      tpu.enqueue_dma source(%dma_start3A_658 : memref<512xi32, #tpu.memory_space<hbm>>) target(%dma_start3A_657 : memref<512xi32, #tpu.memory_space<vmem>>) target_semaphore(%run_scoped3A : memref<!tpu.dma_semaphore, #tpu.memory_space<semaphore_mem>>)
      %dma_wait3A = arith.constant 0 : i32
      %dma_wait3A_659 = tpu.memref_slice %arg4[%dma_wait3A] : memref<768xi32, #tpu.memory_space<vmem>> -> memref<512xi32, #tpu.memory_space<vmem>>
      %dma_wait3A_660 = tpu.memref_slice %arg2[%add3A_493] : memref<100000xi32, #tpu.memory_space<hbm>> -> memref<512xi32, #tpu.memory_space<hbm>>
      %dma_wait3A_661 = arith.constant 0 : i32
      %dma_wait3A_662 = tpu.memref_slice %arg4[%dma_wait3A_661] : memref<768xi32, #tpu.memory_space<vmem>> -> memref<512xi32, #tpu.memory_space<vmem>>
      %dma_wait3A_663 = tpu.memref_slice %arg2[%add3A_493] : memref<100000xi32, #tpu.memory_space<hbm>> -> memref<512xi32, #tpu.memory_space<hbm>>
      tpu.wait_dma2 semaphore(%run_scoped3A : memref<!tpu.dma_semaphore, #tpu.memory_space<semaphore_mem>>) src(%dma_wait3A_663 : memref<512xi32, #tpu.memory_space<hbm>>) dst(%dma_wait3A_662 : memref<512xi32, #tpu.memory_space<vmem>>)
      tpu.yield
    }) : () -> ()
    %get3A_494 = arith.constant 0 : index
    %get3A_495 = tpu.vector_load %arg4[%get3A_494] {strides = array<i32>} : memref<768xi32, #tpu.memory_space<vmem>>, vector<16xi32>,
    %add3A_496 = arith.constant 0 : i32
    %add3A_497 = vector.broadcast %add3A_496 : i32 to vector<16xi32>
    %add3A_498 = arith.addi %iota3A, %add3A_497 : vector<16xi32>
    tpu.vector_store_idx %arg5[%get3A_495, %add3A_498], %broadcast_in_dim3A_1 : memref<50x768xf32, #tpu.memory_space<vmem>>[vector<16xi32>, vector<16xi32>], vector<16xf32>,
    %get3A_499 = arith.constant 16 : index
    %get3A_500 = tpu.vector_load %arg4[%get3A_499] {strides = array<i32>} : memref<768xi32, #tpu.memory_space<vmem>>, vector<16xi32>,
    %add3A_501 = arith.constant 16 : i32
    %add3A_502 = vector.broadcast %add3A_501 : i32 to vector<16xi32>
    %add3A_503 = arith.addi %iota3A, %add3A_502 : vector<16xi32>
    tpu.vector_store_idx %arg5[%get3A_500, %add3A_503], %broadcast_in_dim3A_1 : memref<50x768xf32, #tpu.memory_space<vmem>>[vector<16xi32>, vector<16xi32>], vector<16xf32>,
    %get3A_504 = arith.constant 32 : index
    %get3A_505 = tpu.vector_load %arg4[%get3A_504] {strides = array<i32>} : memref<768xi32, #tpu.memory_space<vmem>>, vector<16xi32>,
    %add3A_506 = arith.constant 32 : i32
    %add3A_507 = vector.broadcast %add3A_506 : i32 to vector<16xi32>
    %add3A_508 = arith.addi %iota3A, %add3A_507 : vector<16xi32>
    tpu.vector_store_idx %arg5[%get3A_505, %add3A_508], %broadcast_in_dim3A_1 : memref<50x768xf32, #tpu.memory_space<vmem>>[vector<16xi32>, vector<16xi32>], vector<16xf32>,
    %get3A_509 = arith.constant 48 : index
    %get3A_510 = tpu.vector_load %arg4[%get3A_509] {strides = array<i32>} : memref<768xi32, #tpu.memory_space<vmem>>, vector<16xi32>,
    %add3A_511 = arith.constant 48 : i32
    %add3A_512 = vector.broadcast %add3A_511 : i32 to vector<16xi32>
    %add3A_513 = arith.addi %iota3A, %add3A_512 : vector<16xi32>
    tpu.vector_store_idx %arg5[%get3A_510, %add3A_513], %broadcast_in_dim3A_1 : memref<50x768xf32, #tpu.memory_space<vmem>>[vector<16xi32>, vector<16xi32>], vector<16xf32>,
    %get3A_514 = arith.constant 64 : index
    %get3A_515 = tpu.vector_load %arg4[%get3A_514] {strides = array<i32>} : memref<768xi32, #tpu.memory_space<vmem>>, vector<16xi32>,
    %add3A_516 = arith.constant 64 : i32
    %add3A_517 = vector.broadcast %add3A_516 : i32 to vector<16xi32>
    %add3A_518 = arith.addi %iota3A, %add3A_517 : vector<16xi32>
    tpu.vector_store_idx %arg5[%get3A_515, %add3A_518], %broadcast_in_dim3A_1 : memref<50x768xf32, #tpu.memory_space<vmem>>[vector<16xi32>, vector<16xi32>], vector<16xf32>,
    %get3A_519 = arith.constant 80 : index
    %get3A_520 = tpu.vector_load %arg4[%get3A_519] {strides = array<i32>} : memref<768xi32, #tpu.memory_space<vmem>>, vector<16xi32>,
    %add3A_521 = arith.constant 80 : i32
    %add3A_522 = vector.broadcast %add3A_521 : i32 to vector<16xi32>
    %add3A_523 = arith.addi %iota3A, %add3A_522 : vector<16xi32>
    tpu.vector_store_idx %arg5[%get3A_520, %add3A_523], %broadcast_in_dim3A_1 : memref<50x768xf32, #tpu.memory_space<vmem>>[vector<16xi32>, vector<16xi32>], vector<16xf32>,
    %get3A_524 = arith.constant 96 : index
    %get3A_525 = tpu.vector_load %arg4[%get3A_524] {strides = array<i32>} : memref<768xi32, #tpu.memory_space<vmem>>, vector<16xi32>,
    %add3A_526 = arith.constant 96 : i32
    %add3A_527 = vector.broadcast %add3A_526 : i32 to vector<16xi32>
    %add3A_528 = arith.addi %iota3A, %add3A_527 : vector<16xi32>
    tpu.vector_store_idx %arg5[%get3A_525, %add3A_528], %broadcast_in_dim3A_1 : memref<50x768xf32, #tpu.memory_space<vmem>>[vector<16xi32>, vector<16xi32>], vector<16xf32>,
    %get3A_529 = arith.constant 112 : index
    %get3A_530 = tpu.vector_load %arg4[%get3A_529] {strides = array<i32>} : memref<768xi32, #tpu.memory_space<vmem>>, vector<16xi32>,
    %add3A_531 = arith.constant 112 : i32
    %add3A_532 = vector.broadcast %add3A_531 : i32 to vector<16xi32>
    %add3A_533 = arith.addi %iota3A, %add3A_532 : vector<16xi32>
    tpu.vector_store_idx %arg5[%get3A_530, %add3A_533], %broadcast_in_dim3A_1 : memref<50x768xf32, #tpu.memory_space<vmem>>[vector<16xi32>, vector<16xi32>], vector<16xf32>,
    %get3A_534 = arith.constant 128 : index
    %get3A_535 = tpu.vector_load %arg4[%get3A_534] {strides = array<i32>} : memref<768xi32, #tpu.memory_space<vmem>>, vector<16xi32>,
    %add3A_536 = arith.constant 128 : i32
    %add3A_537 = vector.broadcast %add3A_536 : i32 to vector<16xi32>
    %add3A_538 = arith.addi %iota3A, %add3A_537 : vector<16xi32>
    tpu.vector_store_idx %arg5[%get3A_535, %add3A_538], %broadcast_in_dim3A_1 : memref<50x768xf32, #tpu.memory_space<vmem>>[vector<16xi32>, vector<16xi32>], vector<16xf32>,
    %get3A_539 = arith.constant 144 : index
    %get3A_540 = tpu.vector_load %arg4[%get3A_539] {strides = array<i32>} : memref<768xi32, #tpu.memory_space<vmem>>, vector<16xi32>,
    %add3A_541 = arith.constant 144 : i32
    %add3A_542 = vector.broadcast %add3A_541 : i32 to vector<16xi32>
    %add3A_543 = arith.addi %iota3A, %add3A_542 : vector<16xi32>
    tpu.vector_store_idx %arg5[%get3A_540, %add3A_543], %broadcast_in_dim3A_1 : memref<50x768xf32, #tpu.memory_space<vmem>>[vector<16xi32>, vector<16xi32>], vector<16xf32>,
    %get3A_544 = arith.constant 160 : index
    %get3A_545 = tpu.vector_load %arg4[%get3A_544] {strides = array<i32>} : memref<768xi32, #tpu.memory_space<vmem>>, vector<16xi32>,
    %add3A_546 = arith.constant 160 : i32
    %add3A_547 = vector.broadcast %add3A_546 : i32 to vector<16xi32>
    %add3A_548 = arith.addi %iota3A, %add3A_547 : vector<16xi32>
    tpu.vector_store_idx %arg5[%get3A_545, %add3A_548], %broadcast_in_dim3A_1 : memref<50x768xf32, #tpu.memory_space<vmem>>[vector<16xi32>, vector<16xi32>], vector<16xf32>,
    %get3A_549 = arith.constant 176 : index
    %get3A_550 = tpu.vector_load %arg4[%get3A_549] {strides = array<i32>} : memref<768xi32, #tpu.memory_space<vmem>>, vector<16xi32>,
    %add3A_551 = arith.constant 176 : i32
    %add3A_552 = vector.broadcast %add3A_551 : i32 to vector<16xi32>
    %add3A_553 = arith.addi %iota3A, %add3A_552 : vector<16xi32>
    tpu.vector_store_idx %arg5[%get3A_550, %add3A_553], %broadcast_in_dim3A_1 : memref<50x768xf32, #tpu.memory_space<vmem>>[vector<16xi32>, vector<16xi32>], vector<16xf32>,
    %get3A_554 = arith.constant 192 : index
    %get3A_555 = tpu.vector_load %arg4[%get3A_554] {strides = array<i32>} : memref<768xi32, #tpu.memory_space<vmem>>, vector<16xi32>,
    %add3A_556 = arith.constant 192 : i32
    %add3A_557 = vector.broadcast %add3A_556 : i32 to vector<16xi32>
    %add3A_558 = arith.addi %iota3A, %add3A_557 : vector<16xi32>
    tpu.vector_store_idx %arg5[%get3A_555, %add3A_558], %broadcast_in_dim3A_1 : memref<50x768xf32, #tpu.memory_space<vmem>>[vector<16xi32>, vector<16xi32>], vector<16xf32>,
    %get3A_559 = arith.constant 208 : index
    %get3A_560 = tpu.vector_load %arg4[%get3A_559] {strides = array<i32>} : memref<768xi32, #tpu.memory_space<vmem>>, vector<16xi32>,
    %add3A_561 = arith.constant 208 : i32
    %add3A_562 = vector.broadcast %add3A_561 : i32 to vector<16xi32>
    %add3A_563 = arith.addi %iota3A, %add3A_562 : vector<16xi32>
    tpu.vector_store_idx %arg5[%get3A_560, %add3A_563], %broadcast_in_dim3A_1 : memref<50x768xf32, #tpu.memory_space<vmem>>[vector<16xi32>, vector<16xi32>], vector<16xf32>,
    %get3A_564 = arith.constant 224 : index
    %get3A_565 = tpu.vector_load %arg4[%get3A_564] {strides = array<i32>} : memref<768xi32, #tpu.memory_space<vmem>>, vector<16xi32>,
    %add3A_566 = arith.constant 224 : i32
    %add3A_567 = vector.broadcast %add3A_566 : i32 to vector<16xi32>
    %add3A_568 = arith.addi %iota3A, %add3A_567 : vector<16xi32>
    tpu.vector_store_idx %arg5[%get3A_565, %add3A_568], %broadcast_in_dim3A_1 : memref<50x768xf32, #tpu.memory_space<vmem>>[vector<16xi32>, vector<16xi32>], vector<16xf32>,
    %get3A_569 = arith.constant 240 : index
    %get3A_570 = tpu.vector_load %arg4[%get3A_569] {strides = array<i32>} : memref<768xi32, #tpu.memory_space<vmem>>, vector<16xi32>,
    %add3A_571 = arith.constant 240 : i32
    %add3A_572 = vector.broadcast %add3A_571 : i32 to vector<16xi32>
    %add3A_573 = arith.addi %iota3A, %add3A_572 : vector<16xi32>
    tpu.vector_store_idx %arg5[%get3A_570, %add3A_573], %broadcast_in_dim3A_1 : memref<50x768xf32, #tpu.memory_space<vmem>>[vector<16xi32>, vector<16xi32>], vector<16xf32>,
    %get3A_574 = arith.constant 256 : index
    %get3A_575 = tpu.vector_load %arg4[%get3A_574] {strides = array<i32>} : memref<768xi32, #tpu.memory_space<vmem>>, vector<16xi32>,
    %add3A_576 = arith.constant 256 : i32
    %add3A_577 = vector.broadcast %add3A_576 : i32 to vector<16xi32>
    %add3A_578 = arith.addi %iota3A, %add3A_577 : vector<16xi32>
    tpu.vector_store_idx %arg5[%get3A_575, %add3A_578], %broadcast_in_dim3A_1 : memref<50x768xf32, #tpu.memory_space<vmem>>[vector<16xi32>, vector<16xi32>], vector<16xf32>,
    %get3A_579 = arith.constant 272 : index
    %get3A_580 = tpu.vector_load %arg4[%get3A_579] {strides = array<i32>} : memref<768xi32, #tpu.memory_space<vmem>>, vector<16xi32>,
    %add3A_581 = arith.constant 272 : i32
    %add3A_582 = vector.broadcast %add3A_581 : i32 to vector<16xi32>
    %add3A_583 = arith.addi %iota3A, %add3A_582 : vector<16xi32>
    tpu.vector_store_idx %arg5[%get3A_580, %add3A_583], %broadcast_in_dim3A_1 : memref<50x768xf32, #tpu.memory_space<vmem>>[vector<16xi32>, vector<16xi32>], vector<16xf32>,
    %get3A_584 = arith.constant 288 : index
    %get3A_585 = tpu.vector_load %arg4[%get3A_584] {strides = array<i32>} : memref<768xi32, #tpu.memory_space<vmem>>, vector<16xi32>,
    %add3A_586 = arith.constant 288 : i32
    %add3A_587 = vector.broadcast %add3A_586 : i32 to vector<16xi32>
    %add3A_588 = arith.addi %iota3A, %add3A_587 : vector<16xi32>
    tpu.vector_store_idx %arg5[%get3A_585, %add3A_588], %broadcast_in_dim3A_1 : memref<50x768xf32, #tpu.memory_space<vmem>>[vector<16xi32>, vector<16xi32>], vector<16xf32>,
    %get3A_589 = arith.constant 304 : index
    %get3A_590 = tpu.vector_load %arg4[%get3A_589] {strides = array<i32>} : memref<768xi32, #tpu.memory_space<vmem>>, vector<16xi32>,
    %add3A_591 = arith.constant 304 : i32
    %add3A_592 = vector.broadcast %add3A_591 : i32 to vector<16xi32>
    %add3A_593 = arith.addi %iota3A, %add3A_592 : vector<16xi32>
    tpu.vector_store_idx %arg5[%get3A_590, %add3A_593], %broadcast_in_dim3A_1 : memref<50x768xf32, #tpu.memory_space<vmem>>[vector<16xi32>, vector<16xi32>], vector<16xf32>,
    %get3A_594 = arith.constant 320 : index
    %get3A_595 = tpu.vector_load %arg4[%get3A_594] {strides = array<i32>} : memref<768xi32, #tpu.memory_space<vmem>>, vector<16xi32>,
    %add3A_596 = arith.constant 320 : i32
    %add3A_597 = vector.broadcast %add3A_596 : i32 to vector<16xi32>
    %add3A_598 = arith.addi %iota3A, %add3A_597 : vector<16xi32>
    tpu.vector_store_idx %arg5[%get3A_595, %add3A_598], %broadcast_in_dim3A_1 : memref<50x768xf32, #tpu.memory_space<vmem>>[vector<16xi32>, vector<16xi32>], vector<16xf32>,
    %get3A_599 = arith.constant 336 : index
    %get3A_600 = tpu.vector_load %arg4[%get3A_599] {strides = array<i32>} : memref<768xi32, #tpu.memory_space<vmem>>, vector<16xi32>,
    %add3A_601 = arith.constant 336 : i32
    %add3A_602 = vector.broadcast %add3A_601 : i32 to vector<16xi32>
    %add3A_603 = arith.addi %iota3A, %add3A_602 : vector<16xi32>
    tpu.vector_store_idx %arg5[%get3A_600, %add3A_603], %broadcast_in_dim3A_1 : memref<50x768xf32, #tpu.memory_space<vmem>>[vector<16xi32>, vector<16xi32>], vector<16xf32>,
    %get3A_604 = arith.constant 352 : index
    %get3A_605 = tpu.vector_load %arg4[%get3A_604] {strides = array<i32>} : memref<768xi32, #tpu.memory_space<vmem>>, vector<16xi32>,
    %add3A_606 = arith.constant 352 : i32
    %add3A_607 = vector.broadcast %add3A_606 : i32 to vector<16xi32>
    %add3A_608 = arith.addi %iota3A, %add3A_607 : vector<16xi32>
    tpu.vector_store_idx %arg5[%get3A_605, %add3A_608], %broadcast_in_dim3A_1 : memref<50x768xf32, #tpu.memory_space<vmem>>[vector<16xi32>, vector<16xi32>], vector<16xf32>,
    %get3A_609 = arith.constant 368 : index
    %get3A_610 = tpu.vector_load %arg4[%get3A_609] {strides = array<i32>} : memref<768xi32, #tpu.memory_space<vmem>>, vector<16xi32>,
    %add3A_611 = arith.constant 368 : i32
    %add3A_612 = vector.broadcast %add3A_611 : i32 to vector<16xi32>
    %add3A_613 = arith.addi %iota3A, %add3A_612 : vector<16xi32>
    tpu.vector_store_idx %arg5[%get3A_610, %add3A_613], %broadcast_in_dim3A_1 : memref<50x768xf32, #tpu.memory_space<vmem>>[vector<16xi32>, vector<16xi32>], vector<16xf32>,
    %get3A_614 = arith.constant 384 : index
    %get3A_615 = tpu.vector_load %arg4[%get3A_614] {strides = array<i32>} : memref<768xi32, #tpu.memory_space<vmem>>, vector<16xi32>,
    %add3A_616 = arith.constant 384 : i32
    %add3A_617 = vector.broadcast %add3A_616 : i32 to vector<16xi32>
    %add3A_618 = arith.addi %iota3A, %add3A_617 : vector<16xi32>
    tpu.vector_store_idx %arg5[%get3A_615, %add3A_618], %broadcast_in_dim3A_1 : memref<50x768xf32, #tpu.memory_space<vmem>>[vector<16xi32>, vector<16xi32>], vector<16xf32>,
    %get3A_619 = arith.constant 400 : index
    %get3A_620 = tpu.vector_load %arg4[%get3A_619] {strides = array<i32>} : memref<768xi32, #tpu.memory_space<vmem>>, vector<16xi32>,
    %add3A_621 = arith.constant 400 : i32
    %add3A_622 = vector.broadcast %add3A_621 : i32 to vector<16xi32>
    %add3A_623 = arith.addi %iota3A, %add3A_622 : vector<16xi32>
    tpu.vector_store_idx %arg5[%get3A_620, %add3A_623], %broadcast_in_dim3A_1 : memref<50x768xf32, #tpu.memory_space<vmem>>[vector<16xi32>, vector<16xi32>], vector<16xf32>,
    %get3A_624 = arith.constant 416 : index
    %get3A_625 = tpu.vector_load %arg4[%get3A_624] {strides = array<i32>} : memref<768xi32, #tpu.memory_space<vmem>>, vector<16xi32>,
    %add3A_626 = arith.constant 416 : i32
    %add3A_627 = vector.broadcast %add3A_626 : i32 to vector<16xi32>
    %add3A_628 = arith.addi %iota3A, %add3A_627 : vector<16xi32>
    tpu.vector_store_idx %arg5[%get3A_625, %add3A_628], %broadcast_in_dim3A_1 : memref<50x768xf32, #tpu.memory_space<vmem>>[vector<16xi32>, vector<16xi32>], vector<16xf32>,
    %get3A_629 = arith.constant 432 : index
    %get3A_630 = tpu.vector_load %arg4[%get3A_629] {strides = array<i32>} : memref<768xi32, #tpu.memory_space<vmem>>, vector<16xi32>,
    %add3A_631 = arith.constant 432 : i32
    %add3A_632 = vector.broadcast %add3A_631 : i32 to vector<16xi32>
    %add3A_633 = arith.addi %iota3A, %add3A_632 : vector<16xi32>
    tpu.vector_store_idx %arg5[%get3A_630, %add3A_633], %broadcast_in_dim3A_1 : memref<50x768xf32, #tpu.memory_space<vmem>>[vector<16xi32>, vector<16xi32>], vector<16xf32>,
    %get3A_634 = arith.constant 448 : index
    %get3A_635 = tpu.vector_load %arg4[%get3A_634] {strides = array<i32>} : memref<768xi32, #tpu.memory_space<vmem>>, vector<16xi32>,
    %add3A_636 = arith.constant 448 : i32
    %add3A_637 = vector.broadcast %add3A_636 : i32 to vector<16xi32>
    %add3A_638 = arith.addi %iota3A, %add3A_637 : vector<16xi32>
    tpu.vector_store_idx %arg5[%get3A_635, %add3A_638], %broadcast_in_dim3A_1 : memref<50x768xf32, #tpu.memory_space<vmem>>[vector<16xi32>, vector<16xi32>], vector<16xf32>,
    %get3A_639 = arith.constant 464 : index
    %get3A_640 = tpu.vector_load %arg4[%get3A_639] {strides = array<i32>} : memref<768xi32, #tpu.memory_space<vmem>>, vector<16xi32>,
    %add3A_641 = arith.constant 464 : i32
    %add3A_642 = vector.broadcast %add3A_641 : i32 to vector<16xi32>
    %add3A_643 = arith.addi %iota3A, %add3A_642 : vector<16xi32>
    tpu.vector_store_idx %arg5[%get3A_640, %add3A_643], %broadcast_in_dim3A_1 : memref<50x768xf32, #tpu.memory_space<vmem>>[vector<16xi32>, vector<16xi32>], vector<16xf32>,
    %get3A_644 = arith.constant 480 : index
    %get3A_645 = tpu.vector_load %arg4[%get3A_644] {strides = array<i32>} : memref<768xi32, #tpu.memory_space<vmem>>, vector<16xi32>,
    %add3A_646 = arith.constant 480 : i32
    %add3A_647 = vector.broadcast %add3A_646 : i32 to vector<16xi32>
    %add3A_648 = arith.addi %iota3A, %add3A_647 : vector<16xi32>
    tpu.vector_store_idx %arg5[%get3A_645, %add3A_648], %broadcast_in_dim3A_1 : memref<50x768xf32, #tpu.memory_space<vmem>>[vector<16xi32>, vector<16xi32>], vector<16xf32>,
    %get3A_649 = arith.constant 496 : index
    %get3A_650 = tpu.vector_load %arg4[%get3A_649] {strides = array<i32>} : memref<768xi32, #tpu.memory_space<vmem>>, vector<16xi32>,
    %add3A_651 = arith.constant 496 : i32
    %add3A_652 = vector.broadcast %add3A_651 : i32 to vector<16xi32>
    %add3A_653 = arith.addi %iota3A, %add3A_652 : vector<16xi32>
    tpu.vector_store_idx %arg5[%get3A_650, %add3A_653], %broadcast_in_dim3A_1 : memref<50x768xf32, #tpu.memory_space<vmem>>[vector<16xi32>, vector<16xi32>], vector<16xf32>,
    "tpu.region"() ({
      %run_scoped3A = tpu.sem_alloc : memref<!tpu.dma_semaphore, #tpu.memory_space<semaphore_mem>>
      %dma_start3A = arith.constant 0 : i32
      %dma_start3A_654 = arith.constant 0 : i32
      %dma_start3A_655 = tpu.memref_slice %arg5[%dma_start3A, %dma_start3A_654] : memref<50x768xf32, #tpu.memory_space<vmem>> -> memref<50x512xf32, #tpu.memory_space<vmem>>
      %dma_start3A_656 = arith.constant 0 : i32
      %dma_start3A_657 = tpu.memref_slice %arg3[%dma_start3A_656, %add3A_493] : memref<50x100000xf32, #tpu.memory_space<hbm>> -> memref<50x512xf32, #tpu.memory_space<hbm>>
      %dma_start3A_658 = arith.constant 0 : i32
      %dma_start3A_659 = tpu.memref_slice %arg3[%dma_start3A_658, %add3A_493] : memref<50x100000xf32, #tpu.memory_space<hbm>> -> memref<50x512xf32, #tpu.memory_space<hbm>>
      %dma_start3A_660 = arith.constant 0 : i32
      %dma_start3A_661 = arith.constant 0 : i32
      %dma_start3A_662 = tpu.memref_slice %arg5[%dma_start3A_660, %dma_start3A_661] : memref<50x768xf32, #tpu.memory_space<vmem>> -> memref<50x512xf32, #tpu.memory_space<vmem>>
      tpu.enqueue_dma source(%dma_start3A_662 : memref<50x512xf32, #tpu.memory_space<vmem>>) target(%dma_start3A_659 : memref<50x512xf32, #tpu.memory_space<hbm>>) target_semaphore(%run_scoped3A : memref<!tpu.dma_semaphore, #tpu.memory_space<semaphore_mem>>)
      %dma_wait3A = arith.constant 0 : i32
      %dma_wait3A_663 = arith.constant 0 : i32
      %dma_wait3A_664 = tpu.memref_slice %arg5[%dma_wait3A, %dma_wait3A_663] : memref<50x768xf32, #tpu.memory_space<vmem>> -> memref<50x512xf32, #tpu.memory_space<vmem>>
      %dma_wait3A_665 = arith.constant 0 : i32
      %dma_wait3A_666 = tpu.memref_slice %arg3[%dma_wait3A_665, %add3A_493] : memref<50x100000xf32, #tpu.memory_space<hbm>> -> memref<50x512xf32, #tpu.memory_space<hbm>>
      %dma_wait3A_667 = arith.constant 0 : i32
      %dma_wait3A_668 = tpu.memref_slice %arg3[%dma_wait3A_667, %add3A_493] : memref<50x100000xf32, #tpu.memory_space<hbm>> -> memref<50x512xf32, #tpu.memory_space<hbm>>
      %dma_wait3A_669 = arith.constant 0 : i32
      %dma_wait3A_670 = arith.constant 0 : i32
      %dma_wait3A_671 = tpu.memref_slice %arg5[%dma_wait3A_669, %dma_wait3A_670] : memref<50x768xf32, #tpu.memory_space<vmem>> -> memref<50x512xf32, #tpu.memory_space<vmem>>
      tpu.wait_dma2 semaphore(%run_scoped3A : memref<!tpu.dma_semaphore, #tpu.memory_space<semaphore_mem>>) src(%dma_wait3A_671 : memref<50x512xf32, #tpu.memory_space<vmem>>) dst(%dma_wait3A_668 : memref<50x512xf32, #tpu.memory_space<hbm>>)
      tpu.yield
    }) : () -> ()
    return
  }
}

module attributes {stable_mosaic.version = 14 : i64} {
  func.func @_onehot_block_tc(%arg0: i32, %arg1: memref<50176xi32, #tpu.memory_space<vmem>>, %arg2: memref<50x50176xf32, #tpu.memory_space<vmem>>) attributes {dimension_semantics = [#tpu.dimension_semantics<arbitrary>], iteration_bounds = array<i64: 2>, scalar_prefetch = 0 : i64, scratch_operands = 0 : i64, tpu.core_type = #tpu.core_type<tc>, window_params = [{transform_indices = @transform_0, window_bounds = array<i64: 50176>}, {transform_indices = @transform_1, window_bounds = array<i64: 50, 50176>}]} {
    %get3A = arith.constant 0 : index
    %get3A_0 = vector.load %arg1[%get3A] : memref<50176xi32, #tpu.memory_space<vmem>>, vector<50176xi32>
    %iota3A = tpu.iota {dimensions = array<i32: 0>} : vector<50x50176xi32>
    %broadcast_in_dim3A = vector.shape_cast %get3A_0 : vector<50176xi32> to vector<1x50176xi32>
    %eq3A = vector.broadcast %broadcast_in_dim3A : vector<1x50176xi32> to vector<50x50176xi32>
    %eq3A_1 = arith.cmpi eq, %iota3A, %eq3A : vector<50x50176xi32>
    %convert_element_type3A = arith.extui %eq3A_1 : vector<50x50176xi1> to vector<50x50176xi32>
    %convert_element_type3A_2 = arith.sitofp %convert_element_type3A : vector<50x50176xi32> to vector<50x50176xf32>
    %swap3A = arith.constant 0 : index
    %swap3A_3 = arith.constant 0 : index
    %swap3A_4 = vector.load %arg2[%swap3A, %swap3A_3] : memref<50x50176xf32, #tpu.memory_space<vmem>>, vector<50x50176xf32>
    tpu.vector_store %arg2[%swap3A, %swap3A_3], %convert_element_type3A_2 {strides = array<i32>} : memref<50x50176xf32, #tpu.memory_space<vmem>>, vector<50x50176xf32>,
    return
  }
  func.func @transform_0(%arg0: i32) -> i32 {
    %c0_i32 = arith.constant 0 : i32
    return %arg0 : i32
  }
  func.func @transform_1(%arg0: i32) -> (i32, i32) {
    %c0_i32 = arith.constant 0 : i32
    %c0_i32_0 = arith.constant 0 : i32
    return %c0_i32, %arg0 : i32, i32
  }
}

module attributes {stable_mosaic.version = 14 : i64} {
  func.func @_region_tc(%arg0: i32, %arg1: memref<50x100000xf32, #tpu.memory_space<any>>, %arg2: memref<20480xi32, #tpu.memory_space<vmem>>, %arg3: memref<50x20480xf32, #tpu.memory_space<vmem>>) attributes {dimension_semantics = [#tpu.dimension_semantics<arbitrary>], iteration_bounds = array<i64: 3>, scalar_prefetch = 0 : i64, scratch_operands = 0 : i64, tpu.core_type = #tpu.core_type<tc>, window_params = [{}, {transform_indices = @transform_1, window_bounds = array<i64: 20480>}, {transform_indices = @transform_2, window_bounds = array<i64: 50, 20480>}]} {
    %get3A = arith.constant 0 : index
    %get3A_0 = vector.load %arg2[%get3A] : memref<20480xi32, #tpu.memory_space<vmem>>, vector<20480xi32>
    %iota3A = tpu.iota {dimensions = array<i32: 0>} : vector<50x20480xi32>
    %broadcast_in_dim3A = vector.shape_cast %get3A_0 : vector<20480xi32> to vector<1x20480xi32>
    %eq3A = vector.broadcast %broadcast_in_dim3A : vector<1x20480xi32> to vector<50x20480xi32>
    %eq3A_1 = arith.cmpi eq, %iota3A, %eq3A : vector<50x20480xi32>
    %convert_element_type3A = arith.extui %eq3A_1 : vector<50x20480xi1> to vector<50x20480xi32>
    %convert_element_type3A_2 = arith.sitofp %convert_element_type3A : vector<50x20480xi32> to vector<50x20480xf32>
    %swap3A = arith.constant 0 : index
    %swap3A_3 = arith.constant 0 : index
    %swap3A_4 = vector.load %arg3[%swap3A, %swap3A_3] : memref<50x20480xf32, #tpu.memory_space<vmem>>, vector<50x20480xf32>
    tpu.vector_store %arg3[%swap3A, %swap3A_3], %convert_element_type3A_2 {strides = array<i32>} : memref<50x20480xf32, #tpu.memory_space<vmem>>, vector<50x20480xf32>,
    return
  }
  func.func @transform_1(%arg0: i32) -> i32 {
    %add3A = arith.constant 2 : i32
    %add3A_0 = arith.addi %arg0, %add3A : i32
    %c0_i32 = arith.constant 0 : i32
    return %add3A_0 : i32
  }
  func.func @transform_2(%arg0: i32) -> (i32, i32) {
    %add3A = arith.constant 2 : i32
    %add3A_0 = arith.addi %arg0, %add3A : i32
    %c0_i32 = arith.constant 0 : i32
    %c0_i32_1 = arith.constant 0 : i32
    return %c0_i32, %add3A_0 : i32, i32
  }
}

</mosaic_0001>

<sc_bundles>
// kernel: kernel.5.cloned.1.call-start
scs
__scs_entry_jumppad:
0x0: {  	(pc) =	sbr.rel $0x88, $3  }
0x1: {  	(tag) =	ssettag $0x0;
	lr =	simm.s32 $0x1  }
0x2: {  	[smem:$0x3FA0] =	sst lr;
	_ =	strace $0xD0000000  }
0x3: {  	_ = 	snop  }
0x4: {  	_ = 	snop  }
0x5: {  	_ = 	snop  }
0x6: {  	_ = 	snop  }
0x7: {  	_ = 	snop  }
__scs_overlays_trampoline_lowered:
0x8: {  	[smem:$0x3FAF] =	sst s0  }
0x9: {  	[smem:$0x3FB0] =	sst s1  }
0xa: {  	[smem:$0x3FB1] =	sst s2  }
0xb: {  	[smem:$0x3FB2] =	sst s3  }
0xc: {  	[smem:$0x3FB3] =	sst s4  }
0xd: {  	[smem:$0x3FB4] =	sst s5  }
0xe: {  	[smem:$0x3FB5] =	sst s6  }
0xf: {  	[smem:$0x3FB6] =	sst s7  }
0x10: {  	[smem:$0x3FB7] =	sst s8  }
0x11: {  	[smem:$0x3FB8] =	sst s9;
	s0 =	simm.s32 @!p0 $0x0  }
0x12: {  	s1 =	sld [smem:$0x3F9E];
	s0 =	simm.s32 @p0 $0x1  }
0x13: {  	[smem:$0x3FB9] =	sst s0;
	s0 =	simm.s32 @!p1 $0x0  }
0x14: {  	s2 =	sld [smem:$0x3F9D];
	s0 =	simm.s32 @p1 $0x1  }
0x15: {  	[smem:$0x3FBA] =	sst s0;
	s0 =	simm.s32 @!p2 $0x0  }
0x16: {  	s3 =	sld [smem:$0x3FDB];
	s0 =	simm.s32 @p2 $0x1  }
0x17: {  	s4 =	simm.s32 $0x1BF5;
	[smem:$0x3FBC] =	sst s0  }
0x18: {  	s0 =	sld [smem:$0x3F9F];
	_ =	swait.ge [sflag:s4], $0x0  }
0x19: {  	s7 =	sld [smem:$0x3FA0]  }
0x1a: {  	s8 =	sadd.s32 $0xFFFFE003, lr  }
0x1b: {  	s9 =	sadd.s32 $0xFFFFFEF7, lr;
	s5 =	simm.s32 $0xFFFFFFFF;
	p2 =	slt.u32 s8, $0xFFFFF086  }
0x1c: {  	p1 =	slt.u32 s9, $0xF7A;
	s5 =	simm.s32 @!p2 $0x0  }
0x1d: {  	s5 =	simm.s32 @p1 $0x1;
	p0 =	seq.s32 s7, s2  }
0x1e: {  	s7 =	smul.u32 @!p0 $0xF7A, s2;
	p2 =	seq.s32 @!p0 s5, $0x0  }
0x1f: {  	s9 =	smul.u32 $0xF7A, s1;
	s8 =	simm.s32 @!p0 $0x1BF5;
	p2 =	por !p2, p0  }
0x20: {  	[sflag:s8] =	ssyncset.s32 @!p0 $0xFFFFF086;
	s6 =	sadd.s32 @!p0 s3, s7;
	s7 =	simm.s32 @!p0 $0x108  }
0x21: {  	s3 =	sadd.s32 s3, s9;
	s6 =	sadd.s32 @!p0 $0x88, s6;
	s7 =	simm.s32 @p2 $0x1082  }
0x22: {  	[simem:s7], [sflag:s8] =	dma.local @!p0 [hbm:s6], $0xF7A  }
0x23: {  	s9 =	sor.u32 $0xD0000000, s2;
	s6 =	simm.s32 $0x108;
	_ =	swait.ge @!p0 [sflag:s8], $0x0  }
0x24: {  	s3 =	sadd.s32 $0x88, s3;
	s6 =	simm.s32 @!p1 $0x1082;
	[sflag:s4] =	ssyncset.s32 $0xFFFFF086  }
0x25: {  	[simem:s6], [sflag:s4] =	dma.local [hbm:s3], $0xF7A  }
0x26: {  	[smem:$0x3FA0] =	sst s1;
	(tag) =	ssettag s2;
	_ =	strace s9  }
0x27: {  	s1 =	sld [smem:$0x3FB0]  }
0x28: {  	s2 =	sld [smem:$0x3FB1]  }
0x29: {  	s4 =	sld [smem:$0x3FB3]  }
0x2a: {  	p0 =	seq.s32 s5, $0x0;
	s5 =	sld [smem:$0x3FB4]  }
0x2b: {  	s6 =	sld [smem:$0x3FB5]  }
0x2c: {  	s7 =	sld [smem:$0x3FB6]  }
0x2d: {  	s3 =	simm.s32 $0x108;
	s8 =	sld [smem:$0x3FB7]  }
0x2e: {  	s3 =	simm.s32 @!p0 $0x1082;
	s9 =	sld [smem:$0x3FB8]  }
0x2f: {  	lr =	sadd.s32 s0, s3;
	s0 =	sld [smem:$0x3FAF]  }
0x30: {  	s3 =	sld [smem:$0x3FB2]  }
0x31: {  	[smem:$0x3FBB] =	sst s10  }
0x32: {  	s10 =	sld [smem:$0x3FB9];
	_ =	sdelay $0x3  }
0x33: {  	p0 =	seq.s32 s10, $0x1;
	s10 =	sld [smem:$0x3FBB];
	_ =	sdelay $0x3  }
0x34: {  	[smem:$0x3FBB] =	sst s10  }
0x35: {  	s10 =	sld [smem:$0x3FBA];
	_ =	sdelay $0x3  }
0x36: {  	p1 =	seq.s32 s10, $0x1;
	s10 =	sld [smem:$0x3FBB];
	_ =	sdelay $0x3  }
0x37: {  	[smem:$0x3FBB] =	sst s10  }
0x38: {  	s10 =	sld [smem:$0x3FBC]  }
0x39: {  	_ = 	snop;
	(pc) =	sbr.ind lr, $3  }
0x3a: {  	_ = 	snop  }
0x3b: {  	_ = 	snop  }
0x3c: {  	p2 =	seq.s32 s10, $0x1;
	s10 =	sld [smem:$0x3FBB]  }
0x3d: {  	_ =	shalt  }
0x3e: {  	_ =	shalt  }
0x3f: {  	_ =	shalt  }
0x40: {  	_ =	shalt  }
0x41: {  	_ =	shalt  }
0x42: {  	_ =	shalt  }
0x43: {  	_ =	shalt  }
0x44: {  	_ =	shalt  }
0x45: {  	_ =	shalt  }
0x46: {  	_ =	shalt  }
0x47: {  	_ =	shalt  }
0x48: {  	_ =	shalt  }
0x49: {  	_ =	shalt  }
0x4a: {  	_ =	shalt  }
0x4b: {  	_ =	shalt  }
0x4c: {  	_ =	shalt  }
0x4d: {  	_ =	shalt  }
0x4e: {  	_ =	shalt  }
0x4f: {  	_ =	shalt  }
0x50: {  	_ =	shalt  }
0x51: {  	_ =	shalt  }
0x52: {  	_ =	shalt  }
0x53: {  	_ =	shalt  }
0x54: {  	_ =	shalt  }
0x55: {  	_ =	shalt  }
0x56: {  	_ =	shalt  }
0x57: {  	_ =	shalt  }
0x58: {  	_ =	shalt  }
0x59: {  	_ =	shalt  }
0x5a: {  	_ =	shalt  }
0x5b: {  	_ =	shalt  }
0x5c: {  	_ =	shalt  }
0x5d: {  	_ =	shalt  }
0x5e: {  	_ =	shalt  }
0x5f: {  	_ =	shalt  }
0x60: {  	_ =	shalt  }
0x61: {  	_ =	shalt  }
0x62: {  	_ =	shalt  }
0x63: {  	_ =	shalt  }
0x64: {  	_ =	shalt  }
0x65: {  	_ =	shalt  }
0x66: {  	_ =	shalt  }
0x67: {  	_ =	shalt  }
0x68: {  	_ =	shalt  }
0x69: {  	_ =	shalt  }
0x6a: {  	_ =	shalt  }
0x6b: {  	_ =	shalt  }
0x6c: {  	_ =	shalt  }
0x6d: {  	_ =	shalt  }
0x6e: {  	_ =	shalt  }
0x6f: {  	_ =	shalt  }
0x70: {  	_ =	shalt  }
0x71: {  	_ =	shalt  }
0x72: {  	_ =	shalt  }
0x73: {  	_ =	shalt  }
0x74: {  	_ =	shalt  }
0x75: {  	_ =	shalt  }
0x76: {  	_ =	shalt  }
0x77: {  	_ =	shalt  }
0x78: {  	_ =	shalt  }
0x79: {  	_ =	shalt  }
0x7a: {  	_ =	shalt  }
0x7b: {  	_ =	shalt  }
0x7c: {  	_ =	shalt  }
0x7d: {  	_ =	shalt  }
0x7e: {  	_ =	shalt  }
0x7f: {  	_ =	shalt  }
0x80: {  	_ =	shalt  }
0x81: {  	_ =	shalt  }
0x82: {  	_ =	shalt  }
0x83: {  	_ =	shalt  }
0x84: {  	_ =	shalt  }
0x85: {  	_ =	shalt  }
0x86: {  	_ =	shalt  }
0x87: {  	_ =	shalt  }
.Lfunc_end0:
.L_simem_size_0:
called_computation_lowered:
.L_overlay_start_0:
0x88: {  	s2 =	sld [smem:$0x3FD9]  }
0x89: {  	s3 =	sld [smem:$0x3FFE];
	_ =	sdelay $0x1  }
0x8a: {  	s1 =	srdreg.scid  }
0x8b: {  	s0 =	sand.u32 $0x1, s1  }
0x8c: {  	s14 =	sshll.u32 s0, $0xA;
	s2 =	sadd.s32 s3, s2  }
0x8d: {  	s2 =	sadd.s32 s2, s14  }
0x8e: {  	[smem:$0x3FC7] =	sst s2  }
0x8f: {  	_ = 	snop  }
0x90: {  	s2 =	sld [smem:$0x3FD0];
	_ =	sdelay $0x2  }
0x91: {  	s15 =	simm.s32 $0xA;
	s4 =	simm.s32 $0x10  }
0x92: {  	[smem:s4], [sflag:s15] =	dma.local [hbm:s2], $0x1  }
0x93: {  	_ =	swait.eq [sflag:s15], $0x1  }
0x94: {  	[sflag:s15] =	ssyncset.done $0x0  }
0x95: {  	[sflag:s15] =	ssyncadd.s32 $0xFFFFFFFF  }
0x96: {  	s16 =	sld [smem:$0x10];
	(tm) =	ssettm $0x1  }
0x97: {  	s17 =	sld [smem:$0x3FFB];
	_ =	sdelay $0x3  }
0x98: {  	_ =	strace s17  }
0x99: {  	s3 =	sld [smem:$0x3FFC];
	_ =	sdelay $0x3  }
0x9a: {  	_ =	strace s3  }
0x9b: {  	s3 =	sld [smem:$0x3FFD];
	_ =	sdelay $0x3  }
0x9c: {  	_ =	strace s3  }
0x9d: {  	_ =	strace $0x8FFFFFFF  }
0x9e: {  	s18 =	sld [smem:$0x3FDB];
	_ =	sdelay $0x1  }
0x9f: {  	s19 =	simm.s32 $_scs_section_size  }
0xa0: {  	s5 =	simm.s32 $_size__tile_overlayer_lowered;
	s6 =	simm.s32 $_tile_overlayer_lowered  }
0xa1: {  	s22 =	simm.s32 $0x1BFF;
	s21 =	sshll.u32 s6, $0x1;
	s3 =	sadd.s32 s19, s18  }
0xa2: {  	s7 =	simm.s32 $0x0;
	s20 =	sshll.u32 s5, $0x1;
	s5 =	sadd.s32 s21, s3  }
0xa3: {  	[timem:s7], [sflag:s22] =	dma.local [hbm:s5], s20  }
0xa4: {  	_ =	swait.ge [sflag:s22], s20  }
0xa5: {  	s4 =	ssub.s32 $0x0, s20;
	[sflag:s22] =	ssyncset.done $0x0  }
0xa6: {  	[sflag:s22] =	ssyncadd.s32 s4;
	_ =	sdelay $0x1  }
0xa7: {  	s23 =	simm.s32 $0x1B8B  }
0xa8: {  	_ =	swait.ge [sflag:s23], $0x1  }
0xa9: {  	[sflag:s23] =	ssyncset.done $0x0  }
0xaa: {  	s25 =	simm.s32 $0x1B8E;
	s24 =	sld [smem:$0x3FFE];
	[sflag:s23] =	ssyncadd.s32 $0xFFFFFFFF  }
0xab: {  	s26 =	simm.s32 $execute0_lowered;
	[smem:$0x3FD2] =	sst s25  }
0xac: {  	s5 =	sshll.u32 s26, $0x1;
	_ =	strace $0x80000046;
	[dreg:$0x1] =	wrdreg $0xFFFFFFFF  }
0xad: {  	s28 =	simm.s32 $_size_execute0_lowered;
	s3 =	sadd.s32 s3, s5;
	[dreg:$0x0] =	wrdreg $0x0  }
0xae: {  	s5 =	sshll.u32 s28, $0x1;
	[dreg:$0x2] =	wrdreg s3  }
0xaf: {  	[dreg:$0x3] =	wrdreg s5  }
0xb0: {  	[dreg:$0x4] =	wrdreg $0xC0  }
0xb1: {  	_ =	task [dreg:s7], $0x5FFFF  }
0xb2: {  	[dreg:$0x1] =	wrdreg $0xFFFFFFFF  }
0xb3: {  	[dreg:$0x0] =	wrdreg $0x60  }
0xb4: {  	[dreg:$0x2] =	wrdreg s24  }
0xb5: {  	[dreg:$0x3] =	wrdreg s16  }
0xb6: {  	[dreg:$0x4] =	wrdreg $0x9  }
0xb7: {  	_ =	task.clear_ibuf [dreg:s7], $0x5FFFF;
	_ =	strace $0x90000046  }
0xb8: {  	s29 =	simm.s32 $0x9;
	_ =	strace $0x80000048  }
0xb9: {  	_ =	swait.ge [sflag:s29], $0x1  }
0xba: {  	[sflag:s29] =	ssyncadd.s32 $0xFFFFFFFF  }
0xbb: {  	_ =	strace $0x90000048  }
0xbc: {  	_ =	sfence  }
0xbd: {  	s30 =	sld [smem:$0x0];
	_ =	sdelay $0x2  }
0xbe: {  	s31 =	sshll.u32 s1, $0xD;
	s1 =	sshrl.u32 s1, $0x2  }
0xbf: {  	s3 =	sand.u32 $0x4000, s31;
	s1 =	sadd.s32 s1, s30  }
0xc0: {  	s0 =	sor.u32 s3, s0;
	s1 =	sshll.u32 s1, $0x11  }
0xc1: {  	s0 =	sor.u32 s1, s0  }
0xc2: {  	s0 =	sadd.s32 $0x8F2B, s0  }
0xc3: {  	[sflag:s0] =	ssyncadd.remote.s32 $0x1  }
0xc4: {  	_ =	sfence.sel $0xFFFF  }
0xc5: {  	[dreg:$0x0] =	wrdreg $0xFFFFFFFF;
	(pc) =	sbr.abs _section_cstart, $3  }
0xc6: {  	[dreg:$0x1] =	wrdreg $0xFFFFFFFF  }
0xc7: {  	_ =	task.clear_ibuf [dreg:s7], $0x2FFFF;
	_ =	strace $0x9FFFFFFF  }
0xc8: {  	(tm) =	ssettm $0x7FFFFFFF  }
0xc9: {  	_ =	shalt  }
tec
execute0_lowered:
.L_overlay_start_1:
0x0: {  	(tag) =	ssettag $0x1  }
0x1: {  	v0 =	vimm.f32 $0.0e+00;
	v1 =	vlaneseq.u32  }
0x2: {  	v2 =	vimm.f32 $1.000000000e+00;
	v3 =	vor.u32 $0x10, v1;
	v4 =	vor.u32 $0x20, v1  }
0x3: {  	s3 =	rddreg [dreg:$0x0];
	v5 =	vor.u32 $0x30, v1;
	v6 =	vor.u32 $0x40, v1;
	v7 =	vor.u32 $0x50, v1  }
0x4: {  	s6 =	rddreg [dreg:$0x1];
	v8 =	vor.u32 $0x60, v1;
	v9 =	vor.u32 $0x70, v1;
	v10 =	vor.u32 $0x400, v1  }
0x5: {  	s0 =	rddreg [dreg:$0x2];
	v11 =	vor.u32 $0x410, v1;
	v12 =	vor.u32 $0x420, v1;
	v13 =	vor.u32 $0x430, v1  }
0x6: {  	s2 =	simm.s32 $0x0;
	s4 =	srdreg.scid;
	s1 =	stileid.u32;
	v14 =	vor.u32 $0x440, v1;
	v15 =	vor.u32 $0x450, v1;
	v16 =	vor.u32 $0x460, v1  }
0x7: {  	s11 =	simm.s32 $0xC3800;
	s13 =	simm.s32 $0x1B00;
	s15 =	simm.s32 $0x3300;
	v17 =	vor.u32 $0x470, v1;
	v18 =	vor.u32 $0x800, v1;
	v19 =	vor.u32 $0x810, v1  }
0x8: {  	s17 =	simm.s32 $0x4B00;
	s18 =	simm.s32 $0x6300;
	s19 =	simm.s32 $0x7B00;
	v20 =	vor.u32 $0x820, v1;
	v21 =	vor.u32 $0x830, v1;
	v22 =	vor.u32 $0x840, v1  }
0x9: {  	s20 =	simm.s32 $0x9300;
	s4 =	sand.u32 $0x1, s4;
	s5 =	sshll.u32 s1, $0x1;
	v23 =	vor.u32 $0x850, v1;
	v24 =	vor.u32 $0x860, v1;
	v25 =	vor.u32 $0x870, v1  }
0xa: {  	s21 =	simm.s32 $0x0;
	[smem:$0x7FF] =	sst s2;
	v26 =	vor.u32 $0xC00, v1;
	v27 =	vor.u32 $0xC10, v1;
	v28 =	vor.u32 $0xC20, v1;
	s30 =	sor.u32 s4, s5  }
0xb: {  	s7 =	sadd.s32 $0x200, s3;
	v29 =	vor.u32 $0xC30, v1;
	v30 =	vor.u32 $0xC40, v1;
	v31 =	vor.u32 $0xC50, v1;
	s4 =	ssub.s32 $0x2, s4;
	s5 =	smul.u32 $0x60, s30  }
0xc: {  	v32 =	vor.u32 $0xC60, v1;
	v33 =	vor.u32 $0xC70, v1;
	v34 =	vor.u32 $0x1000, v1;
	s8 =	sshll.u32 s30, $0x9;
	s9 =	sshrl.u32 s4, $0x1;
	s10 =	smul.u32 $0x300, s30  }
0xd: {  	v35 =	vor.u32 $0x1010, v1;
	v36 =	vor.u32 $0x1020, v1;
	v37 =	vor.u32 $0x1030, v1;
	_ =	strace $0x80000047;
	s8 =	sadd.s32 $0x6000, s8;
	s9 =	ssub.s32 s4, s9  }
0xe: {  	v38 =	vor.u32 $0x1040, v1;
	v39 =	vor.u32 $0x1050, v1;
	v40 =	vor.u32 $0x1060, v1;
	s3 =	sadd.s32 s7, s5;
	s31 =	sshrl.u32 s8, $0x3;
	s4 =	sadd.s32 s6, s10  }
0xf: {  	v41 =	vor.u32 $0x1070, v1;
	v42 =	vor.u32 $0x1400, v1;
	v43 =	vor.u32 $0x1410, v1;
	s6 =	sadd.s32 s6, s8;
	s8 =	simm.s32 $0x1;
	s10 =	simm.s32 $0x1800  }
0x10: {  	v44 =	vor.u32 $0x1420, v1;
	v45 =	vor.u32 $0x1430, v1;
	v46 =	vor.u32 $0x1440, v1;
	s5 =	sadd.s32 s7, s31;
	s7 =	smax.u32 s9, $0x1;
	s9 =	simm.s32 $0x300  }
0x11: {  	v47 =	vor.u32 $0x1450, v1;
	v48 =	vor.u32 $0x1460, v1;
	v49 =	vor.u32 $0x1470, v1;
	s12 =	sadd.s32 $0x18700, s6;
	s14 =	sadd.s32 $0x30E00, s6;
	s16 =	sadd.s32 $0x49500, s6  }
.LBB2_1:
0x12: {  	s22 =	sand.u32 $0x70, s2;
	s23 =	sand.u32 $0x1C00, s2  }
0x13: {  	s22 =	sor.u32 s22, s23  }
0x14: {  	[tilespmem:s22+$0x380] =	vst v0  }
0x15: {  	[tilespmem:s22+$0x400] =	vst v0  }
0x16: {  	[tilespmem:s22+$0x480] =	vst v0  }
0x17: {  	[tilespmem:s22+$0x500] =	vst v0  }
0x18: {  	[tilespmem:s22+$0x580] =	vst v0  }
0x19: {  	s25 =	sor.u32 s2, s2;
	s24 =	simm.s32 $0x0;
	s23 =	simm.s32 $0x10;
	[tilespmem:s22+$0x600] =	vst v0  }
.LBB2_2:
0x1a: {  	p0 =	sne.s32 s23, $0x2F0;
	[tilespmem:s22+$0x300] =	vst v0;
	s25 =	sor.u32 $0x380, s25  }
0x1b: {  	[tilespmem:s25+$0x300] =	vst v0  }
0x1c: {  	[tilespmem:s22+$0x1B00] =	vst v0  }
0x1d: {  	[tilespmem:s22+$0x1B80] =	vst v0  }
0x1e: {  	[tilespmem:s22+$0x1C00] =	vst v0  }
0x1f: {  	[tilespmem:s22+$0x1C80] =	vst v0  }
0x20: {  	[tilespmem:s22+$0x1D00] =	vst v0  }
0x21: {  	[tilespmem:s22+$0x1D80] =	vst v0  }
0x22: {  	[tilespmem:s22+$0x1E00] =	vst v0  }
0x23: {  	[tilespmem:s22+$0x1E80] =	vst v0  }
0x24: {  	[tilespmem:s22+$0x3300] =	vst v0  }
0x25: {  	[tilespmem:s22+$0x3380] =	vst v0  }
0x26: {  	[tilespmem:s22+$0x3400] =	vst v0  }
0x27: {  	[tilespmem:s22+$0x3480] =	vst v0  }
0x28: {  	[tilespmem:s22+$0x3500] =	vst v0  }
0x29: {  	[tilespmem:s22+$0x3580] =	vst v0  }
0x2a: {  	[tilespmem:s22+$0x3600] =	vst v0  }
0x2b: {  	[tilespmem:s22+$0x3680] =	vst v0  }
0x2c: {  	[tilespmem:s22+$0x4B00] =	vst v0  }
0x2d: {  	[tilespmem:s22+$0x4B80] =	vst v0  }
0x2e: {  	[tilespmem:s22+$0x4C00] =	vst v0  }
0x2f: {  	[tilespmem:s22+$0x4C80] =	vst v0  }
0x30: {  	[tilespmem:s22+$0x4D00] =	vst v0  }
0x31: {  	[tilespmem:s22+$0x4D80] =	vst v0  }
0x32: {  	[tilespmem:s22+$0x4E00] =	vst v0  }
0x33: {  	[tilespmem:s22+$0x4E80] =	vst v0  }
0x34: {  	[tilespmem:s22+$0x6300] =	vst v0  }
0x35: {  	[tilespmem:s22+$0x6380] =	vst v0  }
0x36: {  	[tilespmem:s22+$0x6400] =	vst v0  }
0x37: {  	[tilespmem:s22+$0x6480] =	vst v0  }
0x38: {  	[tilespmem:s22+$0x6500] =	vst v0  }
0x39: {  	[tilespmem:s22+$0x6580] =	vst v0  }
0x3a: {  	[tilespmem:s22+$0x6600] =	vst v0  }
0x3b: {  	[tilespmem:s22+$0x6680] =	vst v0  }
0x3c: {  	[tilespmem:s22+$0x7B00] =	vst v0  }
0x3d: {  	[tilespmem:s22+$0x7B80] =	vst v0  }
0x3e: {  	[tilespmem:s22+$0x7C00] =	vst v0  }
0x3f: {  	[tilespmem:s22+$0x7C80] =	vst v0  }
0x40: {  	[tilespmem:s22+$0x7D00] =	vst v0  }
0x41: {  	[tilespmem:s22+$0x7D80] =	vst v0  }
0x42: {  	[tilespmem:s22+$0x7E00] =	vst v0  }
0x43: {  	s24 =	sadd.s32 $0x80, s24;
	[tilespmem:s22+$0x7E80] =	vst v0  }
0x44: {  	s25 =	sand.u32 $0x70, s23;
	s26 =	sand.u32 $0x1C00, s24;
	[tilespmem:s22+$0x9300] =	vst v0  }
0x45: {  	[tilespmem:s22+$0x9380] =	vst v0;
	s22 =	sor.u32 s25, s26  }
0x46: {  	[tilespmem:s22+$0x380] =	vst v0  }
.Ltmp0:
0x47: {  	[tilespmem:s22+$0x400] =	vst v0;
	(pc) =	sbr.rel @p0 .LBB2_2-.Ltmp0, $4  }
0x48: {  	[tilespmem:s22+$0x480] =	vst v0  }
0x49: {  	[tilespmem:s22+$0x500] =	vst v0  }
0x4a: {  	[tilespmem:s22+$0x580] =	vst v0  }
0x4b: {  	s25 =	sor.u32 s24, s23;
	s23 =	sadd.s32 $0x10, s23;
	[tilespmem:s22+$0x600] =	vst v0  }
0x4c: {  	[tilespmem:s22+$0x300] =	vst v0;
	s23 =	sor.u32 $0x380, s25  }
0x4d: {  	[tilespmem:s23+$0x300] =	vst v0  }
0x4e: {  	[tilespmem:s22+$0x1B00] =	vst v0  }
0x4f: {  	[tilespmem:s22+$0x1B80] =	vst v0  }
0x50: {  	[tilespmem:s22+$0x1C00] =	vst v0  }
0x51: {  	[tilespmem:s22+$0x1C80] =	vst v0  }
0x52: {  	[tilespmem:s22+$0x1D00] =	vst v0  }
0x53: {  	[tilespmem:s22+$0x1D80] =	vst v0  }
0x54: {  	[tilespmem:s22+$0x1E00] =	vst v0  }
0x55: {  	[tilespmem:s22+$0x1E80] =	vst v0  }
0x56: {  	[tilespmem:s22+$0x3300] =	vst v0  }
0x57: {  	[tilespmem:s22+$0x3380] =	vst v0  }
0x58: {  	[tilespmem:s22+$0x3400] =	vst v0  }
0x59: {  	[tilespmem:s22+$0x3480] =	vst v0  }
0x5a: {  	[tilespmem:s22+$0x3500] =	vst v0  }
0x5b: {  	[tilespmem:s22+$0x3580] =	vst v0  }
0x5c: {  	[tilespmem:s22+$0x3600] =	vst v0  }
0x5d: {  	[tilespmem:s22+$0x3680] =	vst v0  }
0x5e: {  	[tilespmem:s22+$0x4B00] =	vst v0  }
0x5f: {  	[tilespmem:s22+$0x4B80] =	vst v0  }
0x60: {  	[tilespmem:s22+$0x4C00] =	vst v0  }
0x61: {  	[tilespmem:s22+$0x4C80] =	vst v0  }
0x62: {  	[tilespmem:s22+$0x4D00] =	vst v0  }
0x63: {  	[tilespmem:s22+$0x4D80] =	vst v0  }
0x64: {  	[tilespmem:s22+$0x4E00] =	vst v0  }
0x65: {  	[tilespmem:s22+$0x4E80] =	vst v0  }
0x66: {  	[tilespmem:s22+$0x6300] =	vst v0  }
0x67: {  	[tilespmem:s22+$0x6380] =	vst v0  }
0x68: {  	[tilespmem:s22+$0x6400] =	vst v0  }
0x69: {  	[tilespmem:s22+$0x6480] =	vst v0  }
0x6a: {  	[tilespmem:s22+$0x6500] =	vst v0  }
0x6b: {  	[tilespmem:s22+$0x6580] =	vst v0  }
0x6c: {  	[tilespmem:s22+$0x6600] =	vst v0  }
0x6d: {  	[tilespmem:s22+$0x6680] =	vst v0  }
0x6e: {  	[tilespmem:s22+$0x7B00] =	vst v0  }
0x6f: {  	[tilespmem:s22+$0x7B80] =	vst v0  }
0x70: {  	[tilespmem:s22+$0x7C00] =	vst v0  }
0x71: {  	[tilespmem:s22+$0x7C80] =	vst v0  }
0x72: {  	[tilespmem:s22+$0x7D00] =	vst v0  }
0x73: {  	[tilespmem:s22+$0x7D80] =	vst v0  }
0x74: {  	[tilespmem:s22+$0x7E00] =	vst v0  }
0x75: {  	[tilespmem:s22+$0x7E80] =	vst v0  }
0x76: {  	[tilespmem:s22+$0x9300] =	vst v0  }
0x77: {  	[tilespmem:s22+$0x9380] =	vst v0  }
0x78: {  	[tilespmem:s2], [sflag:$0x1] =	stream.linear.gather [hbm4b:s3+s2], $0x300, $0x38;
	[tilespmem:$0xAB00] =	vst v63  }
0x79: {  	_ =	swait.ge [sflag:s8], $0x300  }
0x7a: {  	[sflag:s8] =	ssyncset.done $0x0  }
0x7b: {  	[sflag:s8] =	ssyncadd.s32 $0xFFFFFD00  }
0x7c: {  	v50 =	vld [tilespmem:$0x0];
	_ =	sdelay $0x4  }
0x7d: {  	v51 =	vshrl.u32 v50, $0x3  }
0x7e: {  	v50 =	vshll.u32 v50, $0x7;
	v51 =	vmul.u32 $0x1800, v51  }
0x7f: {  	v50 =	vand.u32 $0x380, v50  }
0x80: {  	v50 =	vor.u32 v50, v51  }
0x81: {  	v50 =	vor.u32 v1, v50;
	_ =	sdelay $0x4  }
0x82: {  	[tilespmem:v50+s9+$0x0] =	vst.idx.msk $0xffff, v2  }
0x83: {  	v50 =	vld [tilespmem:$0x10];
	_ =	sdelay $0x4  }
0x84: {  	v55 =	vshrl.u32 v50, $0x3  }
0x85: {  	v50 =	vshll.u32 v50, $0x7;
	v51 =	vmul.u32 $0x1800, v55  }
0x86: {  	v50 =	vand.u32 $0x380, v50  }
0x87: {  	v50 =	vor.u32 v50, v51  }
0x88: {  	v50 =	vor.u32 v3, v50;
	_ =	sdelay $0x4  }
0x89: {  	[tilespmem:v50+s9+$0x0] =	vst.idx.msk $0xffff, v2  }
0x8a: {  	v50 =	vld [tilespmem:$0x20];
	_ =	sdelay $0x4  }
0x8b: {  	v56 =	vshrl.u32 v50, $0x3  }
0x8c: {  	v50 =	vshll.u32 v50, $0x7;
	v51 =	vmul.u32 $0x1800, v56  }
0x8d: {  	v50 =	vand.u32 $0x380, v50  }
0x8e: {  	v50 =	vor.u32 v50, v51  }
0x8f: {  	v50 =	vor.u32 v4, v50;
	_ =	sdelay $0x4  }
0x90: {  	[tilespmem:v50+s9+$0x0] =	vst.idx.msk $0xffff, v2  }
0x91: {  	v50 =	vld [tilespmem:$0x30];
	_ =	sdelay $0x4  }
0x92: {  	v57 =	vshrl.u32 v50, $0x3  }
0x93: {  	v50 =	vshll.u32 v50, $0x7;
	v51 =	vmul.u32 $0x1800, v57  }
0x94: {  	v50 =	vand.u32 $0x380, v50  }
0x95: {  	v50 =	vor.u32 v50, v51  }
0x96: {  	v50 =	vor.u32 v5, v50;
	_ =	sdelay $0x4  }
0x97: {  	[tilespmem:v50+s9+$0x0] =	vst.idx.msk $0xffff, v2  }
0x98: {  	v50 =	vld [tilespmem:$0x40];
	_ =	sdelay $0x4  }
0x99: {  	v58 =	vshrl.u32 v50, $0x3  }
0x9a: {  	v50 =	vshll.u32 v50, $0x7;
	v51 =	vmul.u32 $0x1800, v58  }
0x9b: {  	v50 =	vand.u32 $0x380, v50  }
0x9c: {  	v50 =	vor.u32 v50, v51  }
0x9d: {  	v50 =	vor.u32 v6, v50;
	_ =	sdelay $0x4  }
0x9e: {  	[tilespmem:v50+s9+$0x0] =	vst.idx.msk $0xffff, v2  }
0x9f: {  	v50 =	vld [tilespmem:$0x50];
	_ =	sdelay $0x4  }
0xa0: {  	v59 =	vshrl.u32 v50, $0x3  }
0xa1: {  	v50 =	vshll.u32 v50, $0x7;
	v51 =	vmul.u32 $0x1800, v59  }
0xa2: {  	v50 =	vand.u32 $0x380, v50  }
0xa3: {  	v50 =	vor.u32 v50, v51  }
0xa4: {  	v50 =	vor.u32 v7, v50;
	_ =	sdelay $0x4  }
0xa5: {  	[tilespmem:v50+s9+$0x0] =	vst.idx.msk $0xffff, v2  }
0xa6: {  	v50 =	vld [tilespmem:$0x60];
	_ =	sdelay $0x4  }
0xa7: {  	v60 =	vshrl.u32 v50, $0x3  }
0xa8: {  	v50 =	vshll.u32 v50, $0x7;
	v51 =	vmul.u32 $0x1800, v60  }
0xa9: {  	v50 =	vand.u32 $0x380, v50  }
0xaa: {  	v50 =	vor.u32 v50, v51  }
0xab: {  	v50 =	vor.u32 v8, v50;
	_ =	sdelay $0x4  }
0xac: {  	[tilespmem:v50+s9+$0x0] =	vst.idx.msk $0xffff, v2  }
0xad: {  	v50 =	vld [tilespmem:$0x70];
	_ =	sdelay $0x4  }
0xae: {  	v61 =	vshrl.u32 v50, $0x3  }
0xaf: {  	v50 =	vshll.u32 v50, $0x7;
	v51 =	vmul.u32 $0x1800, v61  }
0xb0: {  	v50 =	vand.u32 $0x380, v50  }
0xb1: {  	v50 =	vor.u32 v50, v51  }
0xb2: {  	v50 =	vor.u32 v9, v50;
	_ =	sdelay $0x4  }
0xb3: {  	[tilespmem:v50+s9+$0x0] =	vst.idx.msk $0xffff, v2  }
0xb4: {  	v50 =	vld [tilespmem:$0x80];
	_ =	sdelay $0x4  }
0xb5: {  	v62 =	vshrl.u32 v50, $0x3  }
0xb6: {  	v50 =	vshll.u32 v50, $0x7;
	v51 =	vmul.u32 $0x1800, v62  }
0xb7: {  	v50 =	vand.u32 $0x380, v50  }
0xb8: {  	v50 =	vor.u32 v50, v51  }
0xb9: {  	v50 =	vor.u32 v10, v50;
	_ =	sdelay $0x4  }
0xba: {  	[tilespmem:v50+s9+$0x0] =	vst.idx.msk $0xffff, v2  }
0xbb: {  	v50 =	vld [tilespmem:$0x90];
	_ =	sdelay $0x4  }
0xbc: {  	v63 =	vshrl.u32 v50, $0x3  }
0xbd: {  	v50 =	vshll.u32 v50, $0x7;
	v51 =	vmul.u32 $0x1800, v63  }
0xbe: {  	v50 =	vand.u32 $0x380, v50  }
0xbf: {  	v50 =	vor.u32 v50, v51  }
0xc0: {  	v50 =	vor.u32 v11, v50;
	_ =	sdelay $0x4  }
0xc1: {  	[tilespmem:v50+s9+$0x0] =	vst.idx.msk $0xffff, v2  }
0xc2: {  	v50 =	vld [tilespmem:$0xA0];
	_ =	sdelay $0x4  }
0xc3: {  	v54 =	vshrl.u32 v50, $0x3  }
0xc4: {  	v50 =	vshll.u32 v50, $0x7;
	v51 =	vmul.u32 $0x1800, v54  }
0xc5: {  	v50 =	vand.u32 $0x380, v50  }
0xc6: {  	v50 =	vor.u32 v50, v51  }
0xc7: {  	v50 =	vor.u32 v12, v50;
	_ =	sdelay $0x4  }
0xc8: {  	[tilespmem:v50+s9+$0x0] =	vst.idx.msk $0xffff, v2  }
0xc9: {  	v50 =	vld [tilespmem:$0xB0];
	_ =	sdelay $0x4  }
0xca: {  	v55 =	vshrl.u32 v50, $0x3  }
0xcb: {  	v50 =	vshll.u32 v50, $0x7;
	v51 =	vmul.u32 $0x1800, v55  }
0xcc: {  	v50 =	vand.u32 $0x380, v50  }
0xcd: {  	v50 =	vor.u32 v50, v51  }
0xce: {  	v50 =	vor.u32 v13, v50;
	_ =	sdelay $0x4  }
0xcf: {  	[tilespmem:v50+s9+$0x0] =	vst.idx.msk $0xffff, v2  }
0xd0: {  	v50 =	vld [tilespmem:$0xC0];
	_ =	sdelay $0x4  }
0xd1: {  	v56 =	vshrl.u32 v50, $0x3  }
0xd2: {  	v50 =	vshll.u32 v50, $0x7;
	v51 =	vmul.u32 $0x1800, v56  }
0xd3: {  	v50 =	vand.u32 $0x380, v50  }
0xd4: {  	v50 =	vor.u32 v50, v51  }
0xd5: {  	v50 =	vor.u32 v14, v50;
	_ =	sdelay $0x4  }
0xd6: {  	[tilespmem:v50+s9+$0x0] =	vst.idx.msk $0xffff, v2  }
0xd7: {  	v50 =	vld [tilespmem:$0xD0];
	_ =	sdelay $0x4  }
0xd8: {  	v57 =	vshrl.u32 v50, $0x3  }
0xd9: {  	v50 =	vshll.u32 v50, $0x7;
	v51 =	vmul.u32 $0x1800, v57  }
0xda: {  	v50 =	vand.u32 $0x380, v50  }
0xdb: {  	v50 =	vor.u32 v50, v51  }
0xdc: {  	v50 =	vor.u32 v15, v50;
	_ =	sdelay $0x4  }
0xdd: {  	[tilespmem:v50+s9+$0x0] =	vst.idx.msk $0xffff, v2  }
0xde: {  	v50 =	vld [tilespmem:$0xE0];
	_ =	sdelay $0x4  }
0xdf: {  	v58 =	vshrl.u32 v50, $0x3  }
0xe0: {  	v50 =	vshll.u32 v50, $0x7;
	v51 =	vmul.u32 $0x1800, v58  }
0xe1: {  	v50 =	vand.u32 $0x380, v50  }
0xe2: {  	v50 =	vor.u32 v50, v51  }
0xe3: {  	v50 =	vor.u32 v16, v50;
	_ =	sdelay $0x4  }
0xe4: {  	[tilespmem:v50+s9+$0x0] =	vst.idx.msk $0xffff, v2  }
0xe5: {  	v50 =	vld [tilespmem:$0xF0];
	_ =	sdelay $0x4  }
0xe6: {  	v59 =	vshrl.u32 v50, $0x3  }
0xe7: {  	v50 =	vshll.u32 v50, $0x7;
	v51 =	vmul.u32 $0x1800, v59  }
0xe8: {  	v50 =	vand.u32 $0x380, v50  }
0xe9: {  	v50 =	vor.u32 v50, v51  }
0xea: {  	v50 =	vor.u32 v17, v50;
	_ =	sdelay $0x4  }
0xeb: {  	[tilespmem:v50+s9+$0x0] =	vst.idx.msk $0xffff, v2  }
0xec: {  	v50 =	vld [tilespmem:$0x100];
	_ =	sdelay $0x4  }
0xed: {  	v60 =	vshrl.u32 v50, $0x3  }
0xee: {  	v50 =	vshll.u32 v50, $0x7;
	v51 =	vmul.u32 $0x1800, v60  }
0xef: {  	v50 =	vand.u32 $0x380, v50  }
0xf0: {  	v50 =	vor.u32 v50, v51  }
0xf1: {  	v50 =	vadd.s32 v18, v50;
	_ =	sdelay $0x4  }
0xf2: {  	[tilespmem:v50+s9+$0x0] =	vst.idx.msk $0xffff, v2  }
0xf3: {  	v50 =	vld [tilespmem:$0x110];
	_ =	sdelay $0x4  }
0xf4: {  	v61 =	vshrl.u32 v50, $0x3  }
0xf5: {  	v50 =	vshll.u32 v50, $0x7;
	v51 =	vmul.u32 $0x1800, v61  }
0xf6: {  	v50 =	vand.u32 $0x380, v50  }
0xf7: {  	v50 =	vor.u32 v50, v51  }
0xf8: {  	v50 =	vadd.s32 v19, v50;
	_ =	sdelay $0x4  }
0xf9: {  	[tilespmem:v50+s9+$0x0] =	vst.idx.msk $0xffff, v2  }
0xfa: {  	v50 =	vld [tilespmem:$0x120];
	_ =	sdelay $0x4  }
0xfb: {  	v62 =	vshrl.u32 v50, $0x3  }
0xfc: {  	v50 =	vshll.u32 v50, $0x7;
	v51 =	vmul.u32 $0x1800, v62  }
0xfd: {  	v50 =	vand.u32 $0x380, v50  }
0xfe: {  	v50 =	vor.u32 v50, v51  }
0xff: {  	v50 =	vadd.s32 v20, v50;
	_ =	sdelay $0x4  }
0x100: {  	[tilespmem:v50+s9+$0x0] =	vst.idx.msk $0xffff, v2  }
0x101: {  	v50 =	vld [tilespmem:$0x130];
	_ =	sdelay $0x4  }
0x102: {  	v63 =	vshrl.u32 v50, $0x3  }
0x103: {  	v50 =	vshll.u32 v50, $0x7;
	v51 =	vmul.u32 $0x1800, v63  }
0x104: {  	v50 =	vand.u32 $0x380, v50  }
0x105: {  	v50 =	vor.u32 v50, v51  }
0x106: {  	v50 =	vadd.s32 v21, v50;
	_ =	sdelay $0x4  }
0x107: {  	[tilespmem:v50+s9+$0x0] =	vst.idx.msk $0xffff, v2  }
0x108: {  	v50 =	vld [tilespmem:$0x140];
	_ =	sdelay $0x4  }
0x109: {  	v54 =	vshrl.u32 v50, $0x3  }
0x10a: {  	v50 =	vshll.u32 v50, $0x7;
	v51 =	vmul.u32 $0x1800, v54  }
0x10b: {  	v50 =	vand.u32 $0x380, v50  }
0x10c: {  	v50 =	vor.u32 v50, v51  }
0x10d: {  	v50 =	vadd.s32 v22, v50;
	_ =	sdelay $0x4  }
0x10e: {  	[tilespmem:v50+s9+$0x0] =	vst.idx.msk $0xffff, v2  }
0x10f: {  	v50 =	vld [tilespmem:$0x150];
	_ =	sdelay $0x4  }
0x110: {  	v55 =	vshrl.u32 v50, $0x3  }
0x111: {  	v50 =	vshll.u32 v50, $0x7;
	v51 =	vmul.u32 $0x1800, v55  }
0x112: {  	v50 =	vand.u32 $0x380, v50  }
0x113: {  	v50 =	vor.u32 v50, v51  }
0x114: {  	v50 =	vadd.s32 v23, v50;
	_ =	sdelay $0x4  }
0x115: {  	[tilespmem:v50+s9+$0x0] =	vst.idx.msk $0xffff, v2  }
0x116: {  	v50 =	vld [tilespmem:$0x160];
	_ =	sdelay $0x4  }
0x117: {  	v56 =	vshrl.u32 v50, $0x3  }
0x118: {  	v50 =	vshll.u32 v50, $0x7;
	v51 =	vmul.u32 $0x1800, v56  }
0x119: {  	v50 =	vand.u32 $0x380, v50  }
0x11a: {  	v50 =	vor.u32 v50, v51  }
0x11b: {  	v50 =	vadd.s32 v24, v50;
	_ =	sdelay $0x4  }
0x11c: {  	[tilespmem:v50+s9+$0x0] =	vst.idx.msk $0xffff, v2  }
0x11d: {  	v50 =	vld [tilespmem:$0x170];
	_ =	sdelay $0x4  }
0x11e: {  	v57 =	vshrl.u32 v50, $0x3  }
0x11f: {  	v50 =	vshll.u32 v50, $0x7;
	v51 =	vmul.u32 $0x1800, v57  }
0x120: {  	v50 =	vand.u32 $0x380, v50  }
0x121: {  	v50 =	vor.u32 v50, v51  }
0x122: {  	v50 =	vadd.s32 v25, v50;
	_ =	sdelay $0x4  }
0x123: {  	[tilespmem:v50+s9+$0x0] =	vst.idx.msk $0xffff, v2  }
0x124: {  	v50 =	vld [tilespmem:$0x180];
	_ =	sdelay $0x4  }
0x125: {  	v58 =	vshrl.u32 v50, $0x3  }
0x126: {  	v50 =	vshll.u32 v50, $0x7;
	v51 =	vmul.u32 $0x1800, v58  }
0x127: {  	v50 =	vand.u32 $0x380, v50  }
0x128: {  	v50 =	vor.u32 v50, v51  }
0x129: {  	v50 =	vadd.s32 v26, v50;
	_ =	sdelay $0x4  }
0x12a: {  	[tilespmem:v50+s9+$0x0] =	vst.idx.msk $0xffff, v2  }
0x12b: {  	v50 =	vld [tilespmem:$0x190];
	_ =	sdelay $0x4  }
0x12c: {  	v59 =	vshrl.u32 v50, $0x3  }
0x12d: {  	v50 =	vshll.u32 v50, $0x7;
	v51 =	vmul.u32 $0x1800, v59  }
0x12e: {  	v50 =	vand.u32 $0x380, v50  }
0x12f: {  	v50 =	vor.u32 v50, v51  }
0x130: {  	v50 =	vadd.s32 v27, v50;
	_ =	sdelay $0x4  }
0x131: {  	[tilespmem:v50+s9+$0x0] =	vst.idx.msk $0xffff, v2  }
0x132: {  	v50 =	vld [tilespmem:$0x1A0];
	_ =	sdelay $0x4  }
0x133: {  	v60 =	vshrl.u32 v50, $0x3  }
0x134: {  	v50 =	vshll.u32 v50, $0x7;
	v51 =	vmul.u32 $0x1800, v60  }
0x135: {  	v50 =	vand.u32 $0x380, v50  }
0x136: {  	v50 =	vor.u32 v50, v51  }
0x137: {  	v50 =	vadd.s32 v28, v50;
	_ =	sdelay $0x4  }
0x138: {  	[tilespmem:v50+s9+$0x0] =	vst.idx.msk $0xffff, v2  }
0x139: {  	v50 =	vld [tilespmem:$0x1B0];
	_ =	sdelay $0x4  }
0x13a: {  	v61 =	vshrl.u32 v50, $0x3  }
0x13b: {  	v50 =	vshll.u32 v50, $0x7;
	v51 =	vmul.u32 $0x1800, v61  }
0x13c: {  	v50 =	vand.u32 $0x380, v50  }
0x13d: {  	v50 =	vor.u32 v50, v51  }
0x13e: {  	v50 =	vadd.s32 v29, v50;
	_ =	sdelay $0x4  }
0x13f: {  	[tilespmem:v50+s9+$0x0] =	vst.idx.msk $0xffff, v2  }
0x140: {  	v50 =	vld [tilespmem:$0x1C0];
	_ =	sdelay $0x4  }
0x141: {  	v62 =	vshrl.u32 v50, $0x3  }
0x142: {  	v50 =	vshll.u32 v50, $0x7;
	v51 =	vmul.u32 $0x1800, v62  }
0x143: {  	v50 =	vand.u32 $0x380, v50  }
0x144: {  	v50 =	vor.u32 v50, v51  }
0x145: {  	v50 =	vadd.s32 v30, v50;
	_ =	sdelay $0x4  }
0x146: {  	[tilespmem:v50+s9+$0x0] =	vst.idx.msk $0xffff, v2  }
0x147: {  	v50 =	vld [tilespmem:$0x1D0];
	_ =	sdelay $0x4  }
0x148: {  	v63 =	vshrl.u32 v50, $0x3  }
0x149: {  	v50 =	vshll.u32 v50, $0x7;
	v51 =	vmul.u32 $0x1800, v63  }
0x14a: {  	v50 =	vand.u32 $0x380, v50  }
0x14b: {  	v50 =	vor.u32 v50, v51  }
0x14c: {  	v50 =	vadd.s32 v31, v50;
	_ =	sdelay $0x4  }
0x14d: {  	[tilespmem:v50+s9+$0x0] =	vst.idx.msk $0xffff, v2  }
0x14e: {  	v50 =	vld [tilespmem:$0x1E0];
	_ =	sdelay $0x4  }
0x14f: {  	v54 =	vshrl.u32 v50, $0x3  }
0x150: {  	v50 =	vshll.u32 v50, $0x7;
	v51 =	vmul.u32 $0x1800, v54  }
0x151: {  	v50 =	vand.u32 $0x380, v50  }
0x152: {  	v50 =	vor.u32 v50, v51  }
0x153: {  	v50 =	vadd.s32 v32, v50;
	_ =	sdelay $0x4  }
0x154: {  	[tilespmem:v50+s9+$0x0] =	vst.idx.msk $0xffff, v2  }
0x155: {  	v50 =	vld [tilespmem:$0x1F0];
	_ =	sdelay $0x4  }
0x156: {  	v55 =	vshrl.u32 v50, $0x3  }
0x157: {  	v50 =	vshll.u32 v50, $0x7;
	v51 =	vmul.u32 $0x1800, v55  }
0x158: {  	v50 =	vand.u32 $0x380, v50  }
0x159: {  	v50 =	vor.u32 v50, v51  }
0x15a: {  	v50 =	vadd.s32 v33, v50;
	_ =	sdelay $0x4  }
0x15b: {  	[tilespmem:v50+s9+$0x0] =	vst.idx.msk $0xffff, v2  }
0x15c: {  	v50 =	vld [tilespmem:$0x200];
	_ =	sdelay $0x4  }
0x15d: {  	v56 =	vshrl.u32 v50, $0x3  }
0x15e: {  	v50 =	vshll.u32 v50, $0x7;
	v51 =	vmul.u32 $0x1800, v56  }
0x15f: {  	v50 =	vand.u32 $0x380, v50  }
0x160: {  	v50 =	vor.u32 v50, v51  }
0x161: {  	v50 =	vadd.s32 v34, v50;
	_ =	sdelay $0x4  }
0x162: {  	[tilespmem:v50+s9+$0x0] =	vst.idx.msk $0xffff, v2  }
0x163: {  	v50 =	vld [tilespmem:$0x210];
	_ =	sdelay $0x4  }
0x164: {  	v57 =	vshrl.u32 v50, $0x3  }
0x165: {  	v50 =	vshll.u32 v50, $0x7;
	v51 =	vmul.u32 $0x1800, v57  }
0x166: {  	v50 =	vand.u32 $0x380, v50  }
0x167: {  	v50 =	vor.u32 v50, v51  }
0x168: {  	v50 =	vadd.s32 v35, v50;
	_ =	sdelay $0x4  }
0x169: {  	[tilespmem:v50+s9+$0x0] =	vst.idx.msk $0xffff, v2  }
0x16a: {  	v50 =	vld [tilespmem:$0x220];
	_ =	sdelay $0x4  }
0x16b: {  	v58 =	vshrl.u32 v50, $0x3  }
0x16c: {  	v50 =	vshll.u32 v50, $0x7;
	v51 =	vmul.u32 $0x1800, v58  }
0x16d: {  	v50 =	vand.u32 $0x380, v50  }
0x16e: {  	v50 =	vor.u32 v50, v51  }
0x16f: {  	v50 =	vadd.s32 v36, v50;
	_ =	sdelay $0x4  }
0x170: {  	[tilespmem:v50+s9+$0x0] =	vst.idx.msk $0xffff, v2  }
0x171: {  	v50 =	vld [tilespmem:$0x230];
	_ =	sdelay $0x4  }
0x172: {  	v59 =	vshrl.u32 v50, $0x3  }
0x173: {  	v50 =	vshll.u32 v50, $0x7;
	v51 =	vmul.u32 $0x1800, v59  }
0x174: {  	v50 =	vand.u32 $0x380, v50  }
0x175: {  	v50 =	vor.u32 v50, v51  }
0x176: {  	v50 =	vadd.s32 v37, v50;
	_ =	sdelay $0x4  }
0x177: {  	[tilespmem:v50+s9+$0x0] =	vst.idx.msk $0xffff, v2  }
0x178: {  	v50 =	vld [tilespmem:$0x240];
	_ =	sdelay $0x4  }
0x179: {  	v60 =	vshrl.u32 v50, $0x3  }
0x17a: {  	v50 =	vshll.u32 v50, $0x7;
	v51 =	vmul.u32 $0x1800, v60  }
0x17b: {  	v50 =	vand.u32 $0x380, v50  }
0x17c: {  	v50 =	vor.u32 v50, v51  }
0x17d: {  	v50 =	vadd.s32 v38, v50;
	_ =	sdelay $0x4  }
0x17e: {  	[tilespmem:v50+s9+$0x0] =	vst.idx.msk $0xffff, v2  }
0x17f: {  	v50 =	vld [tilespmem:$0x250];
	_ =	sdelay $0x4  }
0x180: {  	v61 =	vshrl.u32 v50, $0x3  }
0x181: {  	v50 =	vshll.u32 v50, $0x7;
	v51 =	vmul.u32 $0x1800, v61  }
0x182: {  	v50 =	vand.u32 $0x380, v50  }
0x183: {  	v50 =	vor.u32 v50, v51  }
0x184: {  	v50 =	vadd.s32 v39, v50;
	_ =	sdelay $0x4  }
0x185: {  	[tilespmem:v50+s9+$0x0] =	vst.idx.msk $0xffff, v2  }
0x186: {  	v50 =	vld [tilespmem:$0x260];
	_ =	sdelay $0x4  }
0x187: {  	v62 =	vshrl.u32 v50, $0x3  }
0x188: {  	v50 =	vshll.u32 v50, $0x7;
	v51 =	vmul.u32 $0x1800, v62  }
0x189: {  	v50 =	vand.u32 $0x380, v50  }
0x18a: {  	v50 =	vor.u32 v50, v51  }
0x18b: {  	v50 =	vadd.s32 v40, v50;
	_ =	sdelay $0x4  }
0x18c: {  	[tilespmem:v50+s9+$0x0] =	vst.idx.msk $0xffff, v2  }
0x18d: {  	v50 =	vld [tilespmem:$0x270];
	_ =	sdelay $0x4  }
0x18e: {  	v63 =	vshrl.u32 v50, $0x3  }
0x18f: {  	v50 =	vshll.u32 v50, $0x7;
	v51 =	vmul.u32 $0x1800, v63  }
0x190: {  	v50 =	vand.u32 $0x380, v50  }
0x191: {  	v50 =	vor.u32 v50, v51  }
0x192: {  	v50 =	vadd.s32 v41, v50;
	_ =	sdelay $0x4  }
0x193: {  	[tilespmem:v50+s9+$0x0] =	vst.idx.msk $0xffff, v2  }
0x194: {  	v50 =	vld [tilespmem:$0x280];
	_ =	sdelay $0x4  }
0x195: {  	v54 =	vshrl.u32 v50, $0x3  }
0x196: {  	v50 =	vshll.u32 v50, $0x7;
	v51 =	vmul.u32 $0x1800, v54  }
0x197: {  	v50 =	vand.u32 $0x380, v50  }
0x198: {  	v50 =	vor.u32 v50, v51  }
0x199: {  	v50 =	vadd.s32 v42, v50;
	_ =	sdelay $0x4  }
0x19a: {  	[tilespmem:v50+s9+$0x0] =	vst.idx.msk $0xffff, v2  }
0x19b: {  	v50 =	vld [tilespmem:$0x290];
	_ =	sdelay $0x4  }
0x19c: {  	v55 =	vshrl.u32 v50, $0x3  }
0x19d: {  	v50 =	vshll.u32 v50, $0x7;
	v51 =	vmul.u32 $0x1800, v55  }
0x19e: {  	v50 =	vand.u32 $0x380, v50  }
0x19f: {  	v50 =	vor.u32 v50, v51  }
0x1a0: {  	v50 =	vadd.s32 v43, v50;
	_ =	sdelay $0x4  }
0x1a1: {  	[tilespmem:v50+s9+$0x0] =	vst.idx.msk $0xffff, v2  }
0x1a2: {  	v50 =	vld [tilespmem:$0x2A0];
	_ =	sdelay $0x4  }
0x1a3: {  	v56 =	vshrl.u32 v50, $0x3  }
0x1a4: {  	v50 =	vshll.u32 v50, $0x7;
	v51 =	vmul.u32 $0x1800, v56  }
0x1a5: {  	v50 =	vand.u32 $0x380, v50  }
0x1a6: {  	v50 =	vor.u32 v50, v51  }
0x1a7: {  	v50 =	vadd.s32 v44, v50;
	_ =	sdelay $0x4  }
0x1a8: {  	[tilespmem:v50+s9+$0x0] =	vst.idx.msk $0xffff, v2  }
0x1a9: {  	v50 =	vld [tilespmem:$0x2B0];
	_ =	sdelay $0x4  }
0x1aa: {  	v57 =	vshrl.u32 v50, $0x3  }
0x1ab: {  	v50 =	vshll.u32 v50, $0x7;
	v51 =	vmul.u32 $0x1800, v57  }
0x1ac: {  	v50 =	vand.u32 $0x380, v50  }
0x1ad: {  	v50 =	vor.u32 v50, v51  }
0x1ae: {  	v50 =	vadd.s32 v45, v50;
	_ =	sdelay $0x4  }
0x1af: {  	[tilespmem:v50+s9+$0x0] =	vst.idx.msk $0xffff, v2  }
0x1b0: {  	v50 =	vld [tilespmem:$0x2C0];
	_ =	sdelay $0x4  }
0x1b1: {  	v58 =	vshrl.u32 v50, $0x3  }
0x1b2: {  	v50 =	vshll.u32 v50, $0x7;
	v51 =	vmul.u32 $0x1800, v58  }
0x1b3: {  	v50 =	vand.u32 $0x380, v50  }
0x1b4: {  	v50 =	vor.u32 v50, v51  }
0x1b5: {  	v50 =	vadd.s32 v46, v50;
	_ =	sdelay $0x4  }
0x1b6: {  	[tilespmem:v50+s9+$0x0] =	vst.idx.msk $0xffff, v2  }
0x1b7: {  	v50 =	vld [tilespmem:$0x2D0];
	_ =	sdelay $0x4  }
0x1b8: {  	v59 =	vshrl.u32 v50, $0x3  }
0x1b9: {  	v50 =	vshll.u32 v50, $0x7;
	v51 =	vmul.u32 $0x1800, v59  }
0x1ba: {  	v50 =	vand.u32 $0x380, v50  }
0x1bb: {  	v50 =	vor.u32 v50, v51  }
0x1bc: {  	v50 =	vadd.s32 v47, v50;
	_ =	sdelay $0x4  }
0x1bd: {  	[tilespmem:v50+s9+$0x0] =	vst.idx.msk $0xffff, v2  }
0x1be: {  	v50 =	vld [tilespmem:$0x2E0];
	_ =	sdelay $0x4  }
0x1bf: {  	v60 =	vshrl.u32 v50, $0x3  }
0x1c0: {  	v50 =	vshll.u32 v50, $0x7;
	v51 =	vmul.u32 $0x1800, v60  }
0x1c1: {  	v50 =	vand.u32 $0x380, v50  }
0x1c2: {  	v50 =	vor.u32 v50, v51  }
0x1c3: {  	v50 =	vadd.s32 v48, v50;
	_ =	sdelay $0x4  }
0x1c4: {  	[tilespmem:v50+s9+$0x0] =	vst.idx.msk $0xffff, v2  }
0x1c5: {  	v50 =	vld [tilespmem:$0x2F0];
	_ =	sdelay $0x4  }
0x1c6: {  	v61 =	vshrl.u32 v50, $0x3  }
0x1c7: {  	v50 =	vshll.u32 v50, $0x7;
	v51 =	vmul.u32 $0x1800, v61  }
0x1c8: {  	v50 =	vand.u32 $0x380, v50  }
0x1c9: {  	v50 =	vor.u32 v50, v51  }
0x1ca: {  	v50 =	vadd.s32 v49, v50;
	_ =	sdelay $0x4  }
0x1cb: {  	[tilespmem:v50+s9+$0x0] =	vst.idx.msk $0xffff, v2  }
0x1cc: {  	[hbm4b:s4+s10] =	stream.strided.scatter [tilespmem:s9], [sflag:$0x1], $0xA800, s11, s10, $0x38;
	[tilespmem:$0xAB00] =	vst v63  }
0x1cd: {  	_ =	swait.ge [sflag:s8], $0xA800  }
0x1ce: {  	[sflag:s8] =	ssyncset.done $0x0  }
0x1cf: {  	[sflag:s8] =	ssyncadd.s32 $0xFFFF5800  }
0x1d0: {  	v62 =	vld [tilespmem:$0x0];
	_ =	sdelay $0x4  }
0x1d1: {  	v63 =	vshrl.u32 v62, $0x3  }
0x1d2: {  	v50 =	vshll.u32 v62, $0x7;
	v51 =	vmul.u32 $0x1800, v63  }
0x1d3: {  	v50 =	vand.u32 $0x380, v50  }
0x1d4: {  	v50 =	vor.u32 v50, v51  }
0x1d5: {  	v50 =	vor.u32 v1, v50;
	_ =	sdelay $0x4  }
0x1d6: {  	[tilespmem:v50+s9+$0x0] =	vst.idx.msk $0xffff, v0  }
0x1d7: {  	v50 =	vld [tilespmem:$0x10];
	_ =	sdelay $0x4  }
0x1d8: {  	v54 =	vshrl.u32 v50, $0x3  }
0x1d9: {  	v50 =	vshll.u32 v50, $0x7;
	v51 =	vmul.u32 $0x1800, v54  }
0x1da: {  	v50 =	vand.u32 $0x380, v50  }
0x1db: {  	v50 =	vor.u32 v50, v51  }
0x1dc: {  	v50 =	vor.u32 v3, v50;
	_ =	sdelay $0x4  }
0x1dd: {  	[tilespmem:v50+s9+$0x0] =	vst.idx.msk $0xffff, v0  }
0x1de: {  	v50 =	vld [tilespmem:$0x20];
	_ =	sdelay $0x4  }
0x1df: {  	v55 =	vshrl.u32 v50, $0x3  }
0x1e0: {  	v50 =	vshll.u32 v50, $0x7;
	v51 =	vmul.u32 $0x1800, v55  }
0x1e1: {  	v50 =	vand.u32 $0x380, v50  }
0x1e2: {  	v50 =	vor.u32 v50, v51  }
0x1e3: {  	v50 =	vor.u32 v4, v50;
	_ =	sdelay $0x4  }
0x1e4: {  	[tilespmem:v50+s9+$0x0] =	vst.idx.msk $0xffff, v0  }
0x1e5: {  	v50 =	vld [tilespmem:$0x30];
	_ =	sdelay $0x4  }
0x1e6: {  	v56 =	vshrl.u32 v50, $0x3  }
0x1e7: {  	v50 =	vshll.u32 v50, $0x7;
	v51 =	vmul.u32 $0x1800, v56  }
0x1e8: {  	v50 =	vand.u32 $0x380, v50  }
0x1e9: {  	v50 =	vor.u32 v50, v51  }
0x1ea: {  	v50 =	vor.u32 v5, v50;
	_ =	sdelay $0x4  }
0x1eb: {  	[tilespmem:v50+s9+$0x0] =	vst.idx.msk $0xffff, v0  }
0x1ec: {  	v50 =	vld [tilespmem:$0x40];
	_ =	sdelay $0x4  }
0x1ed: {  	v57 =	vshrl.u32 v50, $0x3  }
0x1ee: {  	v50 =	vshll.u32 v50, $0x7;
	v51 =	vmul.u32 $0x1800, v57  }
0x1ef: {  	v50 =	vand.u32 $0x380, v50  }
0x1f0: {  	v50 =	vor.u32 v50, v51  }
0x1f1: {  	v50 =	vor.u32 v6, v50;
	_ =	sdelay $0x4  }
0x1f2: {  	[tilespmem:v50+s9+$0x0] =	vst.idx.msk $0xffff, v0  }
0x1f3: {  	v50 =	vld [tilespmem:$0x50];
	_ =	sdelay $0x4  }
0x1f4: {  	v58 =	vshrl.u32 v50, $0x3  }
0x1f5: {  	v50 =	vshll.u32 v50, $0x7;
	v51 =	vmul.u32 $0x1800, v58  }
0x1f6: {  	v50 =	vand.u32 $0x380, v50  }
0x1f7: {  	v50 =	vor.u32 v50, v51  }
0x1f8: {  	v50 =	vor.u32 v7, v50;
	_ =	sdelay $0x4  }
0x1f9: {  	[tilespmem:v50+s9+$0x0] =	vst.idx.msk $0xffff, v0  }
0x1fa: {  	v50 =	vld [tilespmem:$0x60];
	_ =	sdelay $0x4  }
0x1fb: {  	v59 =	vshrl.u32 v50, $0x3  }
0x1fc: {  	v50 =	vshll.u32 v50, $0x7;
	v51 =	vmul.u32 $0x1800, v59  }
0x1fd: {  	v50 =	vand.u32 $0x380, v50  }
0x1fe: {  	v50 =	vor.u32 v50, v51  }
0x1ff: {  	v50 =	vor.u32 v8, v50;
	_ =	sdelay $0x4  }
0x200: {  	[tilespmem:v50+s9+$0x0] =	vst.idx.msk $0xffff, v0  }
0x201: {  	v50 =	vld [tilespmem:$0x70];
	_ =	sdelay $0x4  }
0x202: {  	v60 =	vshrl.u32 v50, $0x3  }
0x203: {  	v50 =	vshll.u32 v50, $0x7;
	v51 =	vmul.u32 $0x1800, v60  }
0x204: {  	v50 =	vand.u32 $0x380, v50  }
0x205: {  	v50 =	vor.u32 v50, v51  }
0x206: {  	v50 =	vor.u32 v9, v50;
	_ =	sdelay $0x4  }
0x207: {  	[tilespmem:v50+s9+$0x0] =	vst.idx.msk $0xffff, v0  }
0x208: {  	v50 =	vld [tilespmem:$0x80];
	_ =	sdelay $0x4  }
0x209: {  	v61 =	vshrl.u32 v50, $0x3  }
0x20a: {  	v50 =	vshll.u32 v50, $0x7;
	v51 =	vmul.u32 $0x1800, v61  }
0x20b: {  	v50 =	vand.u32 $0x380, v50  }
0x20c: {  	v50 =	vor.u32 v50, v51  }
0x20d: {  	v50 =	vor.u32 v10, v50;
	_ =	sdelay $0x4  }
0x20e: {  	[tilespmem:v50+s9+$0x0] =	vst.idx.msk $0xffff, v0  }
0x20f: {  	v50 =	vld [tilespmem:$0x90];
	_ =	sdelay $0x4  }
0x210: {  	v62 =	vshrl.u32 v50, $0x3  }
0x211: {  	v50 =	vshll.u32 v50, $0x7;
	v51 =	vmul.u32 $0x1800, v62  }
0x212: {  	v50 =	vand.u32 $0x380, v50  }
0x213: {  	v50 =	vor.u32 v50, v51  }
0x214: {  	v50 =	vor.u32 v11, v50;
	_ =	sdelay $0x4  }
0x215: {  	[tilespmem:v50+s9+$0x0] =	vst.idx.msk $0xffff, v0  }
0x216: {  	v50 =	vld [tilespmem:$0xA0];
	_ =	sdelay $0x4  }
0x217: {  	v63 =	vshrl.u32 v50, $0x3  }
0x218: {  	v50 =	vshll.u32 v50, $0x7;
	v51 =	vmul.u32 $0x1800, v63  }
0x219: {  	v50 =	vand.u32 $0x380, v50  }
0x21a: {  	v50 =	vor.u32 v50, v51  }
0x21b: {  	v50 =	vor.u32 v12, v50;
	_ =	sdelay $0x4  }
0x21c: {  	[tilespmem:v50+s9+$0x0] =	vst.idx.msk $0xffff, v0  }
0x21d: {  	v50 =	vld [tilespmem:$0xB0];
	_ =	sdelay $0x4  }
0x21e: {  	v54 =	vshrl.u32 v50, $0x3  }
0x21f: {  	v50 =	vshll.u32 v50, $0x7;
	v51 =	vmul.u32 $0x1800, v54  }
0x220: {  	v50 =	vand.u32 $0x380, v50  }
0x221: {  	v50 =	vor.u32 v50, v51  }
0x222: {  	v50 =	vor.u32 v13, v50;
	_ =	sdelay $0x4  }
0x223: {  	[tilespmem:v50+s9+$0x0] =	vst.idx.msk $0xffff, v0  }
0x224: {  	v50 =	vld [tilespmem:$0xC0];
	_ =	sdelay $0x4  }
0x225: {  	v55 =	vshrl.u32 v50, $0x3  }
0x226: {  	v50 =	vshll.u32 v50, $0x7;
	v51 =	vmul.u32 $0x1800, v55  }
0x227: {  	v50 =	vand.u32 $0x380, v50  }
0x228: {  	v50 =	vor.u32 v50, v51  }
0x229: {  	v50 =	vor.u32 v14, v50;
	_ =	sdelay $0x4  }
0x22a: {  	[tilespmem:v50+s9+$0x0] =	vst.idx.msk $0xffff, v0  }
0x22b: {  	v50 =	vld [tilespmem:$0xD0];
	_ =	sdelay $0x4  }
0x22c: {  	v56 =	vshrl.u32 v50, $0x3  }
0x22d: {  	v50 =	vshll.u32 v50, $0x7;
	v51 =	vmul.u32 $0x1800, v56  }
0x22e: {  	v50 =	vand.u32 $0x380, v50  }
0x22f: {  	v50 =	vor.u32 v50, v51  }
0x230: {  	v50 =	vor.u32 v15, v50;
	_ =	sdelay $0x4  }
0x231: {  	[tilespmem:v50+s9+$0x0] =	vst.idx.msk $0xffff, v0  }
0x232: {  	v50 =	vld [tilespmem:$0xE0];
	_ =	sdelay $0x4  }
0x233: {  	v57 =	vshrl.u32 v50, $0x3  }
0x234: {  	v50 =	vshll.u32 v50, $0x7;
	v51 =	vmul.u32 $0x1800, v57  }
0x235: {  	v50 =	vand.u32 $0x380, v50  }
0x236: {  	v50 =	vor.u32 v50, v51  }
0x237: {  	v50 =	vor.u32 v16, v50;
	_ =	sdelay $0x4  }
0x238: {  	[tilespmem:v50+s9+$0x0] =	vst.idx.msk $0xffff, v0  }
0x239: {  	v50 =	vld [tilespmem:$0xF0];
	_ =	sdelay $0x4  }
0x23a: {  	v58 =	vshrl.u32 v50, $0x3  }
0x23b: {  	v50 =	vshll.u32 v50, $0x7;
	v51 =	vmul.u32 $0x1800, v58  }
0x23c: {  	v50 =	vand.u32 $0x380, v50  }
0x23d: {  	v50 =	vor.u32 v50, v51  }
0x23e: {  	v50 =	vor.u32 v17, v50;
	_ =	sdelay $0x4  }
0x23f: {  	[tilespmem:v50+s9+$0x0] =	vst.idx.msk $0xffff, v0  }
0x240: {  	v50 =	vld [tilespmem:$0x100];
	_ =	sdelay $0x4  }
0x241: {  	v59 =	vshrl.u32 v50, $0x3  }
0x242: {  	v50 =	vshll.u32 v50, $0x7;
	v51 =	vmul.u32 $0x1800, v59  }
0x243: {  	v50 =	vand.u32 $0x380, v50  }
0x244: {  	v50 =	vor.u32 v50, v51  }
0x245: {  	v50 =	vadd.s32 v18, v50;
	_ =	sdelay $0x4  }
0x246: {  	[tilespmem:v50+s9+$0x0] =	vst.idx.msk $0xffff, v0  }
0x247: {  	v50 =	vld [tilespmem:$0x110];
	_ =	sdelay $0x4  }
0x248: {  	v60 =	vshrl.u32 v50, $0x3  }
0x249: {  	v50 =	vshll.u32 v50, $0x7;
	v51 =	vmul.u32 $0x1800, v60  }
0x24a: {  	v50 =	vand.u32 $0x380, v50  }
0x24b: {  	v50 =	vor.u32 v50, v51  }
0x24c: {  	v50 =	vadd.s32 v19, v50;
	_ =	sdelay $0x4  }
0x24d: {  	[tilespmem:v50+s9+$0x0] =	vst.idx.msk $0xffff, v0  }
0x24e: {  	v50 =	vld [tilespmem:$0x120];
	_ =	sdelay $0x4  }
0x24f: {  	v61 =	vshrl.u32 v50, $0x3  }
0x250: {  	v50 =	vshll.u32 v50, $0x7;
	v51 =	vmul.u32 $0x1800, v61  }
0x251: {  	v50 =	vand.u32 $0x380, v50  }
0x252: {  	v50 =	vor.u32 v50, v51  }
0x253: {  	v50 =	vadd.s32 v20, v50;
	_ =	sdelay $0x4  }
0x254: {  	[tilespmem:v50+s9+$0x0] =	vst.idx.msk $0xffff, v0  }
0x255: {  	v50 =	vld [tilespmem:$0x130];
	_ =	sdelay $0x4  }
0x256: {  	v62 =	vshrl.u32 v50, $0x3  }
0x257: {  	v50 =	vshll.u32 v50, $0x7;
	v51 =	vmul.u32 $0x1800, v62  }
0x258: {  	v50 =	vand.u32 $0x380, v50  }
0x259: {  	v50 =	vor.u32 v50, v51  }
0x25a: {  	v50 =	vadd.s32 v21, v50;
	_ =	sdelay $0x4  }
0x25b: {  	[tilespmem:v50+s9+$0x0] =	vst.idx.msk $0xffff, v0  }
0x25c: {  	v50 =	vld [tilespmem:$0x140];
	_ =	sdelay $0x4  }
0x25d: {  	v63 =	vshrl.u32 v50, $0x3  }
0x25e: {  	v50 =	vshll.u32 v50, $0x7;
	v51 =	vmul.u32 $0x1800, v63  }
0x25f: {  	v50 =	vand.u32 $0x380, v50  }
0x260: {  	v50 =	vor.u32 v50, v51  }
0x261: {  	v50 =	vadd.s32 v22, v50;
	_ =	sdelay $0x4  }
0x262: {  	[tilespmem:v50+s9+$0x0] =	vst.idx.msk $0xffff, v0  }
0x263: {  	v50 =	vld [tilespmem:$0x150];
	_ =	sdelay $0x4  }
0x264: {  	v54 =	vshrl.u32 v50, $0x3  }
0x265: {  	v50 =	vshll.u32 v50, $0x7;
	v51 =	vmul.u32 $0x1800, v54  }
0x266: {  	v50 =	vand.u32 $0x380, v50  }
0x267: {  	v50 =	vor.u32 v50, v51  }
0x268: {  	v50 =	vadd.s32 v23, v50;
	_ =	sdelay $0x4  }
0x269: {  	[tilespmem:v50+s9+$0x0] =	vst.idx.msk $0xffff, v0  }
0x26a: {  	v50 =	vld [tilespmem:$0x160];
	_ =	sdelay $0x4  }
0x26b: {  	v55 =	vshrl.u32 v50, $0x3  }
0x26c: {  	v50 =	vshll.u32 v50, $0x7;
	v51 =	vmul.u32 $0x1800, v55  }
0x26d: {  	v50 =	vand.u32 $0x380, v50  }
0x26e: {  	v50 =	vor.u32 v50, v51  }
0x26f: {  	v50 =	vadd.s32 v24, v50;
	_ =	sdelay $0x4  }
0x270: {  	[tilespmem:v50+s9+$0x0] =	vst.idx.msk $0xffff, v0  }
0x271: {  	v50 =	vld [tilespmem:$0x170];
	_ =	sdelay $0x4  }
0x272: {  	v56 =	vshrl.u32 v50, $0x3  }
0x273: {  	v50 =	vshll.u32 v50, $0x7;
	v51 =	vmul.u32 $0x1800, v56  }
0x274: {  	v50 =	vand.u32 $0x380, v50  }
0x275: {  	v50 =	vor.u32 v50, v51  }
0x276: {  	v50 =	vadd.s32 v25, v50;
	_ =	sdelay $0x4  }
0x277: {  	[tilespmem:v50+s9+$0x0] =	vst.idx.msk $0xffff, v0  }
0x278: {  	v50 =	vld [tilespmem:$0x180];
	_ =	sdelay $0x4  }
0x279: {  	v57 =	vshrl.u32 v50, $0x3  }
0x27a: {  	v50 =	vshll.u32 v50, $0x7;
	v51 =	vmul.u32 $0x1800, v57  }
0x27b: {  	v50 =	vand.u32 $0x380, v50  }
0x27c: {  	v50 =	vor.u32 v50, v51  }
0x27d: {  	v50 =	vadd.s32 v26, v50;
	_ =	sdelay $0x4  }
0x27e: {  	[tilespmem:v50+s9+$0x0] =	vst.idx.msk $0xffff, v0  }
0x27f: {  	v50 =	vld [tilespmem:$0x190];
	_ =	sdelay $0x4  }
0x280: {  	v58 =	vshrl.u32 v50, $0x3  }
0x281: {  	v50 =	vshll.u32 v50, $0x7;
	v51 =	vmul.u32 $0x1800, v58  }
0x282: {  	v50 =	vand.u32 $0x380, v50  }
0x283: {  	v50 =	vor.u32 v50, v51  }
0x284: {  	v50 =	vadd.s32 v27, v50;
	_ =	sdelay $0x4  }
0x285: {  	[tilespmem:v50+s9+$0x0] =	vst.idx.msk $0xffff, v0  }
0x286: {  	v50 =	vld [tilespmem:$0x1A0];
	_ =	sdelay $0x4  }
0x287: {  	v59 =	vshrl.u32 v50, $0x3  }
0x288: {  	v50 =	vshll.u32 v50, $0x7;
	v51 =	vmul.u32 $0x1800, v59  }
0x289: {  	v50 =	vand.u32 $0x380, v50  }
0x28a: {  	v50 =	vor.u32 v50, v51  }
0x28b: {  	v50 =	vadd.s32 v28, v50;
	_ =	sdelay $0x4  }
0x28c: {  	[tilespmem:v50+s9+$0x0] =	vst.idx.msk $0xffff, v0  }
0x28d: {  	v50 =	vld [tilespmem:$0x1B0];
	_ =	sdelay $0x4  }
0x28e: {  	v60 =	vshrl.u32 v50, $0x3  }
0x28f: {  	v50 =	vshll.u32 v50, $0x7;
	v51 =	vmul.u32 $0x1800, v60  }
0x290: {  	v50 =	vand.u32 $0x380, v50  }
0x291: {  	v50 =	vor.u32 v50, v51  }
0x292: {  	v50 =	vadd.s32 v29, v50;
	_ =	sdelay $0x4  }
0x293: {  	[tilespmem:v50+s9+$0x0] =	vst.idx.msk $0xffff, v0  }
0x294: {  	v50 =	vld [tilespmem:$0x1C0];
	_ =	sdelay $0x4  }
0x295: {  	v61 =	vshrl.u32 v50, $0x3  }
0x296: {  	v50 =	vshll.u32 v50, $0x7;
	v51 =	vmul.u32 $0x1800, v61  }
0x297: {  	v50 =	vand.u32 $0x380, v50  }
0x298: {  	v50 =	vor.u32 v50, v51  }
0x299: {  	v50 =	vadd.s32 v30, v50;
	_ =	sdelay $0x4  }
0x29a: {  	[tilespmem:v50+s9+$0x0] =	vst.idx.msk $0xffff, v0  }
0x29b: {  	v50 =	vld [tilespmem:$0x1D0];
	_ =	sdelay $0x4  }
0x29c: {  	v62 =	vshrl.u32 v50, $0x3  }
0x29d: {  	v50 =	vshll.u32 v50, $0x7;
	v51 =	vmul.u32 $0x1800, v62  }
0x29e: {  	v50 =	vand.u32 $0x380, v50  }
0x29f: {  	v50 =	vor.u32 v50, v51  }
0x2a0: {  	v50 =	vadd.s32 v31, v50;
	_ =	sdelay $0x4  }
0x2a1: {  	[tilespmem:v50+s9+$0x0] =	vst.idx.msk $0xffff, v0  }
0x2a2: {  	v50 =	vld [tilespmem:$0x1E0];
	_ =	sdelay $0x4  }
0x2a3: {  	v63 =	vshrl.u32 v50, $0x3  }
0x2a4: {  	v50 =	vshll.u32 v50, $0x7;
	v51 =	vmul.u32 $0x1800, v63  }
0x2a5: {  	v50 =	vand.u32 $0x380, v50  }
0x2a6: {  	v50 =	vor.u32 v50, v51  }
0x2a7: {  	v50 =	vadd.s32 v32, v50;
	_ =	sdelay $0x4  }
0x2a8: {  	[tilespmem:v50+s9+$0x0] =	vst.idx.msk $0xffff, v0  }
0x2a9: {  	v50 =	vld [tilespmem:$0x1F0];
	_ =	sdelay $0x4  }
0x2aa: {  	v54 =	vshrl.u32 v50, $0x3  }
0x2ab: {  	v50 =	vshll.u32 v50, $0x7;
	v51 =	vmul.u32 $0x1800, v54  }
0x2ac: {  	v50 =	vand.u32 $0x380, v50  }
0x2ad: {  	v50 =	vor.u32 v50, v51  }
0x2ae: {  	v50 =	vadd.s32 v33, v50;
	_ =	sdelay $0x4  }
0x2af: {  	[tilespmem:v50+s9+$0x0] =	vst.idx.msk $0xffff, v0  }
0x2b0: {  	v50 =	vld [tilespmem:$0x200];
	_ =	sdelay $0x4  }
0x2b1: {  	v55 =	vshrl.u32 v50, $0x3  }
0x2b2: {  	v50 =	vshll.u32 v50, $0x7;
	v51 =	vmul.u32 $0x1800, v55  }
0x2b3: {  	v50 =	vand.u32 $0x380, v50  }
0x2b4: {  	v50 =	vor.u32 v50, v51  }
0x2b5: {  	v50 =	vadd.s32 v34, v50;
	_ =	sdelay $0x4  }
0x2b6: {  	[tilespmem:v50+s9+$0x0] =	vst.idx.msk $0xffff, v0  }
0x2b7: {  	v50 =	vld [tilespmem:$0x210];
	_ =	sdelay $0x4  }
0x2b8: {  	v56 =	vshrl.u32 v50, $0x3  }
0x2b9: {  	v50 =	vshll.u32 v50, $0x7;
	v51 =	vmul.u32 $0x1800, v56  }
0x2ba: {  	v50 =	vand.u32 $0x380, v50  }
0x2bb: {  	v50 =	vor.u32 v50, v51  }
0x2bc: {  	v50 =	vadd.s32 v35, v50;
	_ =	sdelay $0x4  }
0x2bd: {  	[tilespmem:v50+s9+$0x0] =	vst.idx.msk $0xffff, v0  }
0x2be: {  	v50 =	vld [tilespmem:$0x220];
	_ =	sdelay $0x4  }
0x2bf: {  	v57 =	vshrl.u32 v50, $0x3  }
0x2c0: {  	v50 =	vshll.u32 v50, $0x7;
	v51 =	vmul.u32 $0x1800, v57  }
0x2c1: {  	v50 =	vand.u32 $0x380, v50  }
0x2c2: {  	v50 =	vor.u32 v50, v51  }
0x2c3: {  	v50 =	vadd.s32 v36, v50;
	_ =	sdelay $0x4  }
0x2c4: {  	[tilespmem:v50+s9+$0x0] =	vst.idx.msk $0xffff, v0  }
0x2c5: {  	v50 =	vld [tilespmem:$0x230];
	_ =	sdelay $0x4  }
0x2c6: {  	v58 =	vshrl.u32 v50, $0x3  }
0x2c7: {  	v50 =	vshll.u32 v50, $0x7;
	v51 =	vmul.u32 $0x1800, v58  }
0x2c8: {  	v50 =	vand.u32 $0x380, v50  }
0x2c9: {  	v50 =	vor.u32 v50, v51  }
0x2ca: {  	v50 =	vadd.s32 v37, v50;
	_ =	sdelay $0x4  }
0x2cb: {  	[tilespmem:v50+s9+$0x0] =	vst.idx.msk $0xffff, v0  }
0x2cc: {  	v50 =	vld [tilespmem:$0x240];
	_ =	sdelay $0x4  }
0x2cd: {  	v59 =	vshrl.u32 v50, $0x3  }
0x2ce: {  	v50 =	vshll.u32 v50, $0x7;
	v51 =	vmul.u32 $0x1800, v59  }
0x2cf: {  	v50 =	vand.u32 $0x380, v50  }
0x2d0: {  	v50 =	vor.u32 v50, v51  }
0x2d1: {  	v50 =	vadd.s32 v38, v50;
	_ =	sdelay $0x4  }
0x2d2: {  	[tilespmem:v50+s9+$0x0] =	vst.idx.msk $0xffff, v0  }
0x2d3: {  	v50 =	vld [tilespmem:$0x250];
	_ =	sdelay $0x4  }
0x2d4: {  	v60 =	vshrl.u32 v50, $0x3  }
0x2d5: {  	v50 =	vshll.u32 v50, $0x7;
	v51 =	vmul.u32 $0x1800, v60  }
0x2d6: {  	v50 =	vand.u32 $0x380, v50  }
0x2d7: {  	v50 =	vor.u32 v50, v51  }
0x2d8: {  	v50 =	vadd.s32 v39, v50;
	_ =	sdelay $0x4  }
0x2d9: {  	[tilespmem:v50+s9+$0x0] =	vst.idx.msk $0xffff, v0  }
0x2da: {  	v50 =	vld [tilespmem:$0x260];
	_ =	sdelay $0x4  }
0x2db: {  	v61 =	vshrl.u32 v50, $0x3  }
0x2dc: {  	v50 =	vshll.u32 v50, $0x7;
	v51 =	vmul.u32 $0x1800, v61  }
0x2dd: {  	v50 =	vand.u32 $0x380, v50  }
0x2de: {  	v50 =	vor.u32 v50, v51  }
0x2df: {  	v50 =	vadd.s32 v40, v50;
	_ =	sdelay $0x4  }
0x2e0: {  	[tilespmem:v50+s9+$0x0] =	vst.idx.msk $0xffff, v0  }
0x2e1: {  	v50 =	vld [tilespmem:$0x270];
	_ =	sdelay $0x4  }
0x2e2: {  	v62 =	vshrl.u32 v50, $0x3  }
0x2e3: {  	v50 =	vshll.u32 v50, $0x7;
	v51 =	vmul.u32 $0x1800, v62  }
0x2e4: {  	v50 =	vand.u32 $0x380, v50  }
0x2e5: {  	v50 =	vor.u32 v50, v51  }
0x2e6: {  	v50 =	vadd.s32 v41, v50;
	_ =	sdelay $0x4  }
0x2e7: {  	[tilespmem:v50+s9+$0x0] =	vst.idx.msk $0xffff, v0  }
0x2e8: {  	v50 =	vld [tilespmem:$0x280];
	_ =	sdelay $0x4  }
0x2e9: {  	v63 =	vshrl.u32 v50, $0x3  }
0x2ea: {  	v50 =	vshll.u32 v50, $0x7;
	v51 =	vmul.u32 $0x1800, v63  }
0x2eb: {  	v50 =	vand.u32 $0x380, v50  }
0x2ec: {  	v50 =	vor.u32 v50, v51  }
0x2ed: {  	v50 =	vadd.s32 v42, v50;
	_ =	sdelay $0x4  }
0x2ee: {  	[tilespmem:v50+s9+$0x0] =	vst.idx.msk $0xffff, v0  }
0x2ef: {  	v50 =	vld [tilespmem:$0x290];
	_ =	sdelay $0x4  }
0x2f0: {  	v54 =	vshrl.u32 v50, $0x3  }
0x2f1: {  	v50 =	vshll.u32 v50, $0x7;
	v51 =	vmul.u32 $0x1800, v54  }
0x2f2: {  	v50 =	vand.u32 $0x380, v50  }
0x2f3: {  	v50 =	vor.u32 v50, v51  }
0x2f4: {  	v50 =	vadd.s32 v43, v50;
	_ =	sdelay $0x4  }
0x2f5: {  	[tilespmem:v50+s9+$0x0] =	vst.idx.msk $0xffff, v0  }
0x2f6: {  	v50 =	vld [tilespmem:$0x2A0];
	_ =	sdelay $0x4  }
0x2f7: {  	v55 =	vshrl.u32 v50, $0x3  }
0x2f8: {  	v50 =	vshll.u32 v50, $0x7;
	v51 =	vmul.u32 $0x1800, v55  }
0x2f9: {  	v50 =	vand.u32 $0x380, v50  }
0x2fa: {  	v50 =	vor.u32 v50, v51  }
0x2fb: {  	v50 =	vadd.s32 v44, v50;
	_ =	sdelay $0x4  }
0x2fc: {  	[tilespmem:v50+s9+$0x0] =	vst.idx.msk $0xffff, v0  }
0x2fd: {  	v50 =	vld [tilespmem:$0x2B0];
	_ =	sdelay $0x4  }
0x2fe: {  	v56 =	vshrl.u32 v50, $0x3  }
0x2ff: {  	v50 =	vshll.u32 v50, $0x7;
	v51 =	vmul.u32 $0x1800, v56  }
0x300: {  	v50 =	vand.u32 $0x380, v50  }
0x301: {  	v50 =	vor.u32 v50, v51  }
0x302: {  	v50 =	vadd.s32 v45, v50;
	_ =	sdelay $0x4  }
0x303: {  	[tilespmem:v50+s9+$0x0] =	vst.idx.msk $0xffff, v0  }
0x304: {  	v50 =	vld [tilespmem:$0x2C0];
	_ =	sdelay $0x4  }
0x305: {  	v57 =	vshrl.u32 v50, $0x3  }
0x306: {  	v50 =	vshll.u32 v50, $0x7;
	v51 =	vmul.u32 $0x1800, v57  }
0x307: {  	v50 =	vand.u32 $0x380, v50  }
0x308: {  	v50 =	vor.u32 v50, v51  }
0x309: {  	v50 =	vadd.s32 v46, v50;
	_ =	sdelay $0x4  }
0x30a: {  	[tilespmem:v50+s9+$0x0] =	vst.idx.msk $0xffff, v0  }
0x30b: {  	v50 =	vld [tilespmem:$0x2D0];
	_ =	sdelay $0x4  }
0x30c: {  	v58 =	vshrl.u32 v50, $0x3  }
0x30d: {  	v50 =	vshll.u32 v50, $0x7;
	v51 =	vmul.u32 $0x1800, v58  }
0x30e: {  	v50 =	vand.u32 $0x380, v50  }
0x30f: {  	v50 =	vor.u32 v50, v51  }
0x310: {  	v50 =	vadd.s32 v47, v50;
	_ =	sdelay $0x4  }
0x311: {  	[tilespmem:v50+s9+$0x0] =	vst.idx.msk $0xffff, v0  }
0x312: {  	v50 =	vld [tilespmem:$0x2E0];
	_ =	sdelay $0x4  }
0x313: {  	v59 =	vshrl.u32 v50, $0x3  }
0x314: {  	v50 =	vshll.u32 v50, $0x7;
	v51 =	vmul.u32 $0x1800, v59  }
0x315: {  	v50 =	vand.u32 $0x380, v50  }
0x316: {  	v50 =	vor.u32 v50, v51  }
0x317: {  	v50 =	vadd.s32 v48, v50;
	_ =	sdelay $0x4  }
0x318: {  	[tilespmem:v50+s9+$0x0] =	vst.idx.msk $0xffff, v0  }
0x319: {  	v50 =	vld [tilespmem:$0x2F0];
	_ =	sdelay $0x4  }
0x31a: {  	v60 =	vshrl.u32 v50, $0x3  }
0x31b: {  	v50 =	vshll.u32 v50, $0x7;
	v51 =	vmul.u32 $0x1800, v60  }
0x31c: {  	v50 =	vand.u32 $0x380, v50  }
0x31d: {  	v50 =	vor.u32 v50, v51  }
0x31e: {  	v50 =	vadd.s32 v49, v50;
	_ =	sdelay $0x4  }
0x31f: {  	[tilespmem:v50+s9+$0x0] =	vst.idx.msk $0xffff, v0  }
0x320: {  	[tilespmem:s2], [sflag:$0x1] =	stream.linear.gather [hbm4b:s5+s2], $0x200, $0x38;
	[tilespmem:$0xAB00] =	vst v63  }
0x321: {  	_ =	swait.ge [sflag:s8], $0x200  }
0x322: {  	[sflag:s8] =	ssyncset.done $0x0  }
0x323: {  	[sflag:s8] =	ssyncadd.s32 $0xFFFFFE00  }
0x324: {  	v61 =	vld [tilespmem:$0x0];
	_ =	sdelay $0x4  }
0x325: {  	v62 =	vshrl.u32 v61, $0x3  }
0x326: {  	v50 =	vshll.u32 v61, $0x7;
	v51 =	vmul.u32 $0x1800, v62  }
0x327: {  	v50 =	vand.u32 $0x380, v50  }
0x328: {  	v50 =	vor.u32 v50, v51  }
0x329: {  	v50 =	vor.u32 v1, v50;
	_ =	sdelay $0x4  }
0x32a: {  	[tilespmem:v50+s9+$0x0] =	vst.idx.msk $0xffff, v2  }
0x32b: {  	v50 =	vld [tilespmem:$0x10];
	_ =	sdelay $0x4  }
0x32c: {  	v63 =	vshrl.u32 v50, $0x3  }
0x32d: {  	v50 =	vshll.u32 v50, $0x7;
	v51 =	vmul.u32 $0x1800, v63  }
0x32e: {  	v50 =	vand.u32 $0x380, v50  }
0x32f: {  	v50 =	vor.u32 v50, v51  }
0x330: {  	v50 =	vor.u32 v3, v50;
	_ =	sdelay $0x4  }
0x331: {  	[tilespmem:v50+s9+$0x0] =	vst.idx.msk $0xffff, v2  }
0x332: {  	v50 =	vld [tilespmem:$0x20];
	_ =	sdelay $0x4  }
0x333: {  	v54 =	vshrl.u32 v50, $0x3  }
0x334: {  	v50 =	vshll.u32 v50, $0x7;
	v51 =	vmul.u32 $0x1800, v54  }
0x335: {  	v50 =	vand.u32 $0x380, v50  }
0x336: {  	v50 =	vor.u32 v50, v51  }
0x337: {  	v50 =	vor.u32 v4, v50;
	_ =	sdelay $0x4  }
0x338: {  	[tilespmem:v50+s9+$0x0] =	vst.idx.msk $0xffff, v2  }
0x339: {  	v50 =	vld [tilespmem:$0x30];
	_ =	sdelay $0x4  }
0x33a: {  	v55 =	vshrl.u32 v50, $0x3  }
0x33b: {  	v50 =	vshll.u32 v50, $0x7;
	v51 =	vmul.u32 $0x1800, v55  }
0x33c: {  	v50 =	vand.u32 $0x380, v50  }
0x33d: {  	v50 =	vor.u32 v50, v51  }
0x33e: {  	v50 =	vor.u32 v5, v50;
	_ =	sdelay $0x4  }
0x33f: {  	[tilespmem:v50+s9+$0x0] =	vst.idx.msk $0xffff, v2  }
0x340: {  	v50 =	vld [tilespmem:$0x40];
	_ =	sdelay $0x4  }
0x341: {  	v56 =	vshrl.u32 v50, $0x3  }
0x342: {  	v50 =	vshll.u32 v50, $0x7;
	v51 =	vmul.u32 $0x1800, v56  }
0x343: {  	v50 =	vand.u32 $0x380, v50  }
0x344: {  	v50 =	vor.u32 v50, v51  }
0x345: {  	v50 =	vor.u32 v6, v50;
	_ =	sdelay $0x4  }
0x346: {  	[tilespmem:v50+s9+$0x0] =	vst.idx.msk $0xffff, v2  }
0x347: {  	v50 =	vld [tilespmem:$0x50];
	_ =	sdelay $0x4  }
0x348: {  	v57 =	vshrl.u32 v50, $0x3  }
0x349: {  	v50 =	vshll.u32 v50, $0x7;
	v51 =	vmul.u32 $0x1800, v57  }
0x34a: {  	v50 =	vand.u32 $0x380, v50  }
0x34b: {  	v50 =	vor.u32 v50, v51  }
0x34c: {  	v50 =	vor.u32 v7, v50;
	_ =	sdelay $0x4  }
0x34d: {  	[tilespmem:v50+s9+$0x0] =	vst.idx.msk $0xffff, v2  }
0x34e: {  	v50 =	vld [tilespmem:$0x60];
	_ =	sdelay $0x4  }
0x34f: {  	v58 =	vshrl.u32 v50, $0x3  }
0x350: {  	v50 =	vshll.u32 v50, $0x7;
	v51 =	vmul.u32 $0x1800, v58  }
0x351: {  	v50 =	vand.u32 $0x380, v50  }
0x352: {  	v50 =	vor.u32 v50, v51  }
0x353: {  	v50 =	vor.u32 v8, v50;
	_ =	sdelay $0x4  }
0x354: {  	[tilespmem:v50+s9+$0x0] =	vst.idx.msk $0xffff, v2  }
0x355: {  	v50 =	vld [tilespmem:$0x70];
	_ =	sdelay $0x4  }
0x356: {  	v59 =	vshrl.u32 v50, $0x3  }
0x357: {  	v50 =	vshll.u32 v50, $0x7;
	v51 =	vmul.u32 $0x1800, v59  }
0x358: {  	v50 =	vand.u32 $0x380, v50  }
0x359: {  	v50 =	vor.u32 v50, v51  }
0x35a: {  	v50 =	vor.u32 v9, v50;
	_ =	sdelay $0x4  }
0x35b: {  	[tilespmem:v50+s9+$0x0] =	vst.idx.msk $0xffff, v2  }
0x35c: {  	v50 =	vld [tilespmem:$0x80];
	_ =	sdelay $0x4  }
0x35d: {  	v60 =	vshrl.u32 v50, $0x3  }
0x35e: {  	v50 =	vshll.u32 v50, $0x7;
	v51 =	vmul.u32 $0x1800, v60  }
0x35f: {  	v50 =	vand.u32 $0x380, v50  }
0x360: {  	v50 =	vor.u32 v50, v51  }
0x361: {  	v50 =	vor.u32 v10, v50;
	_ =	sdelay $0x4  }
0x362: {  	[tilespmem:v50+s9+$0x0] =	vst.idx.msk $0xffff, v2  }
0x363: {  	v50 =	vld [tilespmem:$0x90];
	_ =	sdelay $0x4  }
0x364: {  	v61 =	vshrl.u32 v50, $0x3  }
0x365: {  	v50 =	vshll.u32 v50, $0x7;
	v51 =	vmul.u32 $0x1800, v61  }
0x366: {  	v50 =	vand.u32 $0x380, v50  }
0x367: {  	v50 =	vor.u32 v50, v51  }
0x368: {  	v50 =	vor.u32 v11, v50;
	_ =	sdelay $0x4  }
0x369: {  	[tilespmem:v50+s9+$0x0] =	vst.idx.msk $0xffff, v2  }
0x36a: {  	v50 =	vld [tilespmem:$0xA0];
	_ =	sdelay $0x4  }
0x36b: {  	v62 =	vshrl.u32 v50, $0x3  }
0x36c: {  	v50 =	vshll.u32 v50, $0x7;
	v51 =	vmul.u32 $0x1800, v62  }
0x36d: {  	v50 =	vand.u32 $0x380, v50  }
0x36e: {  	v50 =	vor.u32 v50, v51  }
0x36f: {  	v50 =	vor.u32 v12, v50;
	_ =	sdelay $0x4  }
0x370: {  	[tilespmem:v50+s9+$0x0] =	vst.idx.msk $0xffff, v2  }
0x371: {  	v50 =	vld [tilespmem:$0xB0];
	_ =	sdelay $0x4  }
0x372: {  	v63 =	vshrl.u32 v50, $0x3  }
0x373: {  	v50 =	vshll.u32 v50, $0x7;
	v51 =	vmul.u32 $0x1800, v63  }
0x374: {  	v50 =	vand.u32 $0x380, v50  }
0x375: {  	v50 =	vor.u32 v50, v51  }
0x376: {  	v50 =	vor.u32 v13, v50;
	_ =	sdelay $0x4  }
0x377: {  	[tilespmem:v50+s9+$0x0] =	vst.idx.msk $0xffff, v2  }
0x378: {  	v50 =	vld [tilespmem:$0xC0];
	_ =	sdelay $0x4  }
0x379: {  	v54 =	vshrl.u32 v50, $0x3  }
0x37a: {  	v50 =	vshll.u32 v50, $0x7;
	v51 =	vmul.u32 $0x1800, v54  }
0x37b: {  	v50 =	vand.u32 $0x380, v50  }
0x37c: {  	v50 =	vor.u32 v50, v51  }
0x37d: {  	v50 =	vor.u32 v14, v50;
	_ =	sdelay $0x4  }
0x37e: {  	[tilespmem:v50+s9+$0x0] =	vst.idx.msk $0xffff, v2  }
0x37f: {  	v50 =	vld [tilespmem:$0xD0];
	_ =	sdelay $0x4  }
0x380: {  	v55 =	vshrl.u32 v50, $0x3  }
0x381: {  	v50 =	vshll.u32 v50, $0x7;
	v51 =	vmul.u32 $0x1800, v55  }
0x382: {  	v50 =	vand.u32 $0x380, v50  }
0x383: {  	v50 =	vor.u32 v50, v51  }
0x384: {  	v50 =	vor.u32 v15, v50;
	_ =	sdelay $0x4  }
0x385: {  	[tilespmem:v50+s9+$0x0] =	vst.idx.msk $0xffff, v2  }
0x386: {  	v50 =	vld [tilespmem:$0xE0];
	_ =	sdelay $0x4  }
0x387: {  	v56 =	vshrl.u32 v50, $0x3  }
0x388: {  	v50 =	vshll.u32 v50, $0x7;
	v51 =	vmul.u32 $0x1800, v56  }
0x389: {  	v50 =	vand.u32 $0x380, v50  }
0x38a: {  	v50 =	vor.u32 v50, v51  }
0x38b: {  	v50 =	vor.u32 v16, v50;
	_ =	sdelay $0x4  }
0x38c: {  	[tilespmem:v50+s9+$0x0] =	vst.idx.msk $0xffff, v2  }
0x38d: {  	v50 =	vld [tilespmem:$0xF0];
	_ =	sdelay $0x4  }
0x38e: {  	v57 =	vshrl.u32 v50, $0x3  }
0x38f: {  	v50 =	vshll.u32 v50, $0x7;
	v51 =	vmul.u32 $0x1800, v57  }
0x390: {  	v50 =	vand.u32 $0x380, v50  }
0x391: {  	v50 =	vor.u32 v50, v51  }
0x392: {  	v50 =	vor.u32 v17, v50;
	_ =	sdelay $0x4  }
0x393: {  	[tilespmem:v50+s9+$0x0] =	vst.idx.msk $0xffff, v2  }
0x394: {  	v50 =	vld [tilespmem:$0x100];
	_ =	sdelay $0x4  }
0x395: {  	v58 =	vshrl.u32 v50, $0x3  }
0x396: {  	v50 =	vshll.u32 v50, $0x7;
	v51 =	vmul.u32 $0x1800, v58  }
0x397: {  	v50 =	vand.u32 $0x380, v50  }
0x398: {  	v50 =	vor.u32 v50, v51  }
0x399: {  	v50 =	vadd.s32 v18, v50;
	_ =	sdelay $0x4  }
0x39a: {  	[tilespmem:v50+s9+$0x0] =	vst.idx.msk $0xffff, v2  }
0x39b: {  	v50 =	vld [tilespmem:$0x110];
	_ =	sdelay $0x4  }
0x39c: {  	v59 =	vshrl.u32 v50, $0x3  }
0x39d: {  	v50 =	vshll.u32 v50, $0x7;
	v51 =	vmul.u32 $0x1800, v59  }
0x39e: {  	v50 =	vand.u32 $0x380, v50  }
0x39f: {  	v50 =	vor.u32 v50, v51  }
0x3a0: {  	v50 =	vadd.s32 v19, v50;
	_ =	sdelay $0x4  }
0x3a1: {  	[tilespmem:v50+s9+$0x0] =	vst.idx.msk $0xffff, v2  }
0x3a2: {  	v50 =	vld [tilespmem:$0x120];
	_ =	sdelay $0x4  }
0x3a3: {  	v60 =	vshrl.u32 v50, $0x3  }
0x3a4: {  	v50 =	vshll.u32 v50, $0x7;
	v51 =	vmul.u32 $0x1800, v60  }
0x3a5: {  	v50 =	vand.u32 $0x380, v50  }
0x3a6: {  	v50 =	vor.u32 v50, v51  }
0x3a7: {  	v50 =	vadd.s32 v20, v50;
	_ =	sdelay $0x4  }
0x3a8: {  	[tilespmem:v50+s9+$0x0] =	vst.idx.msk $0xffff, v2  }
0x3a9: {  	v50 =	vld [tilespmem:$0x130];
	_ =	sdelay $0x4  }
0x3aa: {  	v61 =	vshrl.u32 v50, $0x3  }
0x3ab: {  	v50 =	vshll.u32 v50, $0x7;
	v51 =	vmul.u32 $0x1800, v61  }
0x3ac: {  	v50 =	vand.u32 $0x380, v50  }
0x3ad: {  	v50 =	vor.u32 v50, v51  }
0x3ae: {  	v50 =	vadd.s32 v21, v50;
	_ =	sdelay $0x4  }
0x3af: {  	[tilespmem:v50+s9+$0x0] =	vst.idx.msk $0xffff, v2  }
0x3b0: {  	v50 =	vld [tilespmem:$0x140];
	_ =	sdelay $0x4  }
0x3b1: {  	v62 =	vshrl.u32 v50, $0x3  }
0x3b2: {  	v50 =	vshll.u32 v50, $0x7;
	v51 =	vmul.u32 $0x1800, v62  }
0x3b3: {  	v50 =	vand.u32 $0x380, v50  }
0x3b4: {  	v50 =	vor.u32 v50, v51  }
0x3b5: {  	v50 =	vadd.s32 v22, v50;
	_ =	sdelay $0x4  }
0x3b6: {  	[tilespmem:v50+s9+$0x0] =	vst.idx.msk $0xffff, v2  }
0x3b7: {  	v50 =	vld [tilespmem:$0x150];
	_ =	sdelay $0x4  }
0x3b8: {  	v63 =	vshrl.u32 v50, $0x3  }
0x3b9: {  	v50 =	vshll.u32 v50, $0x7;
	v51 =	vmul.u32 $0x1800, v63  }
0x3ba: {  	v50 =	vand.u32 $0x380, v50  }
0x3bb: {  	v50 =	vor.u32 v50, v51  }
0x3bc: {  	v50 =	vadd.s32 v23, v50;
	_ =	sdelay $0x4  }
0x3bd: {  	[tilespmem:v50+s9+$0x0] =	vst.idx.msk $0xffff, v2  }
0x3be: {  	v50 =	vld [tilespmem:$0x160];
	_ =	sdelay $0x4  }
0x3bf: {  	v54 =	vshrl.u32 v50, $0x3  }
0x3c0: {  	v50 =	vshll.u32 v50, $0x7;
	v51 =	vmul.u32 $0x1800, v54  }
0x3c1: {  	v50 =	vand.u32 $0x380, v50  }
0x3c2: {  	v50 =	vor.u32 v50, v51  }
0x3c3: {  	v50 =	vadd.s32 v24, v50;
	_ =	sdelay $0x4  }
0x3c4: {  	[tilespmem:v50+s9+$0x0] =	vst.idx.msk $0xffff, v2  }
0x3c5: {  	v50 =	vld [tilespmem:$0x170];
	_ =	sdelay $0x4  }
0x3c6: {  	v55 =	vshrl.u32 v50, $0x3  }
0x3c7: {  	v50 =	vshll.u32 v50, $0x7;
	v51 =	vmul.u32 $0x1800, v55  }
0x3c8: {  	v50 =	vand.u32 $0x380, v50  }
0x3c9: {  	v50 =	vor.u32 v50, v51  }
0x3ca: {  	v50 =	vadd.s32 v25, v50;
	_ =	sdelay $0x4  }
0x3cb: {  	[tilespmem:v50+s9+$0x0] =	vst.idx.msk $0xffff, v2  }
0x3cc: {  	v50 =	vld [tilespmem:$0x180];
	_ =	sdelay $0x4  }
0x3cd: {  	v56 =	vshrl.u32 v50, $0x3  }
0x3ce: {  	v50 =	vshll.u32 v50, $0x7;
	v51 =	vmul.u32 $0x1800, v56  }
0x3cf: {  	v50 =	vand.u32 $0x380, v50  }
0x3d0: {  	v50 =	vor.u32 v50, v51  }
0x3d1: {  	v50 =	vadd.s32 v26, v50;
	_ =	sdelay $0x4  }
0x3d2: {  	[tilespmem:v50+s9+$0x0] =	vst.idx.msk $0xffff, v2  }
0x3d3: {  	v50 =	vld [tilespmem:$0x190];
	_ =	sdelay $0x4  }
0x3d4: {  	v57 =	vshrl.u32 v50, $0x3  }
0x3d5: {  	v50 =	vshll.u32 v50, $0x7;
	v51 =	vmul.u32 $0x1800, v57  }
0x3d6: {  	v50 =	vand.u32 $0x380, v50  }
0x3d7: {  	v50 =	vor.u32 v50, v51  }
0x3d8: {  	v50 =	vadd.s32 v27, v50;
	_ =	sdelay $0x4  }
0x3d9: {  	[tilespmem:v50+s9+$0x0] =	vst.idx.msk $0xffff, v2  }
0x3da: {  	v50 =	vld [tilespmem:$0x1A0];
	_ =	sdelay $0x4  }
0x3db: {  	v58 =	vshrl.u32 v50, $0x3  }
0x3dc: {  	v50 =	vshll.u32 v50, $0x7;
	v51 =	vmul.u32 $0x1800, v58  }
0x3dd: {  	v50 =	vand.u32 $0x380, v50  }
0x3de: {  	v50 =	vor.u32 v50, v51  }
0x3df: {  	v50 =	vadd.s32 v28, v50;
	_ =	sdelay $0x4  }
0x3e0: {  	[tilespmem:v50+s9+$0x0] =	vst.idx.msk $0xffff, v2  }
0x3e1: {  	v50 =	vld [tilespmem:$0x1B0];
	_ =	sdelay $0x4  }
0x3e2: {  	v59 =	vshrl.u32 v50, $0x3  }
0x3e3: {  	v50 =	vshll.u32 v50, $0x7;
	v51 =	vmul.u32 $0x1800, v59  }
0x3e4: {  	v50 =	vand.u32 $0x380, v50  }
0x3e5: {  	v50 =	vor.u32 v50, v51  }
0x3e6: {  	v50 =	vadd.s32 v29, v50;
	_ =	sdelay $0x4  }
0x3e7: {  	[tilespmem:v50+s9+$0x0] =	vst.idx.msk $0xffff, v2  }
0x3e8: {  	v50 =	vld [tilespmem:$0x1C0];
	_ =	sdelay $0x4  }
0x3e9: {  	v60 =	vshrl.u32 v50, $0x3  }
0x3ea: {  	v50 =	vshll.u32 v50, $0x7;
	v51 =	vmul.u32 $0x1800, v60  }
0x3eb: {  	v50 =	vand.u32 $0x380, v50  }
0x3ec: {  	v50 =	vor.u32 v50, v51  }
0x3ed: {  	v50 =	vadd.s32 v30, v50;
	_ =	sdelay $0x4  }
0x3ee: {  	[tilespmem:v50+s9+$0x0] =	vst.idx.msk $0xffff, v2  }
0x3ef: {  	v50 =	vld [tilespmem:$0x1D0];
	_ =	sdelay $0x4  }
0x3f0: {  	v61 =	vshrl.u32 v50, $0x3  }
0x3f1: {  	v50 =	vshll.u32 v50, $0x7;
	v51 =	vmul.u32 $0x1800, v61  }
0x3f2: {  	v50 =	vand.u32 $0x380, v50  }
0x3f3: {  	v50 =	vor.u32 v50, v51  }
0x3f4: {  	v50 =	vadd.s32 v31, v50;
	_ =	sdelay $0x4  }
0x3f5: {  	[tilespmem:v50+s9+$0x0] =	vst.idx.msk $0xffff, v2  }
0x3f6: {  	v50 =	vld [tilespmem:$0x1E0];
	_ =	sdelay $0x4  }
0x3f7: {  	v62 =	vshrl.u32 v50, $0x3  }
0x3f8: {  	v50 =	vshll.u32 v50, $0x7;
	v51 =	vmul.u32 $0x1800, v62  }
0x3f9: {  	v50 =	vand.u32 $0x380, v50  }
0x3fa: {  	v50 =	vor.u32 v50, v51  }
0x3fb: {  	v50 =	vadd.s32 v32, v50;
	_ =	sdelay $0x4  }
0x3fc: {  	[tilespmem:v50+s9+$0x0] =	vst.idx.msk $0xffff, v2  }
0x3fd: {  	v50 =	vld [tilespmem:$0x1F0];
	_ =	sdelay $0x4  }
0x3fe: {  	v63 =	vshrl.u32 v50, $0x3  }
0x3ff: {  	v50 =	vshll.u32 v50, $0x7;
	v51 =	vmul.u32 $0x1800, v63  }
0x400: {  	v50 =	vand.u32 $0x380, v50  }
0x401: {  	v50 =	vor.u32 v50, v51  }
0x402: {  	v50 =	vadd.s32 v33, v50;
	_ =	sdelay $0x4  }
0x403: {  	[tilespmem:v50+s9+$0x0] =	vst.idx.msk $0xffff, v2  }
0x404: {  	[hbm4b:s6+s2] =	stream.linear.scatter [tilespmem:s9], [sflag:$0x1], $0x1000, $0x38;
	[tilespmem:$0xAB00] =	vst v63  }
0x405: {  	_ = 	snop  }
0x406: {  	[hbm4b:s12+s2] =	stream.linear.scatter [tilespmem:s13], [sflag:$0x1], $0x1000, $0x38;
	[tilespmem:$0xAB00] =	vst v63  }
0x407: {  	_ = 	snop  }
0x408: {  	[hbm4b:s14+s2] =	stream.linear.scatter [tilespmem:s15], [sflag:$0x1], $0x1000, $0x38;
	[tilespmem:$0xAB00] =	vst v63  }
0x409: {  	_ = 	snop  }
0x40a: {  	[hbm4b:s16+s2] =	stream.linear.scatter [tilespmem:s17], [sflag:$0x1], $0x1000, $0x38;
	[tilespmem:$0xAB00] =	vst v63  }
0x40b: {  	s29 =	sadd.s32 $0x61C00, s6;
	s21 =	sadd.s32 $0x1, s21  }
0x40c: {  	[hbm4b:s29+s2] =	stream.linear.scatter [tilespmem:s18], [sflag:$0x1], $0x1000, $0x38;
	[tilespmem:$0xAB00] =	vst v63  }
0x40d: {  	s30 =	sadd.s32 $0x7A300, s6;
	p0 =	sne.s32 s21, s7  }
0x40e: {  	[hbm4b:s30+s2] =	stream.linear.scatter [tilespmem:s19], [sflag:$0x1], $0x1000, $0x38;
	[tilespmem:$0xAB00] =	vst v63  }
.Ltmp1:
0x40f: {  	s31 =	sadd.s32 $0x92A00, s6;
	(pc) =	sbr.rel @p0 .LBB2_1-.Ltmp1, $4  }
0x410: {  	[hbm4b:s31+s2] =	stream.linear.scatter [tilespmem:s20], [sflag:$0x1], $0x1000, $0x38;
	[tilespmem:$0xAB00] =	vst v63  }
0x411: {  	_ =	swait.ge [sflag:s8], $0x7000  }
0x412: {  	[sflag:s8] =	ssyncset.done $0x0  }
0x413: {  	[sflag:s8] =	ssyncadd.s32 $0xFFFF9000  }
0x414: {  	_ =	sfence.sel $0x180000  }
0x415: {  	[bflag:$0x0] =	sbarrier.arrive $0xFFFF  }
0x416: {  	p0 =	sne.s32 s1, $0x0;
	_ =	strace $0x90000047  }
0x417: {  	s0 =	sadd.s32 @!p0 $0x100000, s0;
	[bflag:$0x2] =	sbarrier.arrive $0xFFFF  }
0x418: {  	[sflag:s0] =	ssyncadd.tile.s32 @!p0 $0x1;
	_ =	shalt  }
.Lfunc_end2:
_tile_overlayer_lowered:
.L_overlay_start_2:
0x419: {  	(tag) =	ssettag $0x2  }
0x41a: {  	s0 =	rddreg [dreg:$0x0];
	s2 =	stileid.u32  }
0x41b: {  	s1 =	rddreg [dreg:$0x1];
	p0 =	sne.s32 s2, $0x0  }
0x41c: {  	s3 =	rddreg [dreg:$0x2];
	[bflag:$0x3] =	sbarrier.arrive $0xFFFF;
	s2 =	simm.s32 @!p0 $0x1C01  }
0x41d: {  	[timem:s3], [sflag:s2] =	dma.local @!p0 [hbm:s0], s1  }
0x41e: {  	s0 =	simm.s32 @!p0 $0x1  }
0x41f: {  	_ =	swait.ge @!p0 [sflag:s0], s1  }
0x420: {  	s1 =	ssub.s32 @!p0 $0x0, s1;
	[sflag:s0] =	ssyncset.done @!p0 $0x0  }
0x421: {  	[sflag:s0] =	ssyncadd.s32 @!p0 s1  }
0x422: {  	[bflag:$0x3] =	sbarrier.arrive $0xFFFF  }
0x423: {  	_ =	shalt  }

</sc_bundles>
